<compile_context>
chip_gen: v7x
topology: tpu7x:2x2x1
jax: 0.10.2.dev20260603
libtpu: 0.0.44.dev20260713+nightly
codegen_flags: <defaults>
</compile_context>

<pallas_src>
import functools

import jax
import jax.numpy as jnp
from jax import lax
from jax.experimental import pallas as pl
from jax.experimental.pallas import tpu as pltpu
from jax.experimental.pallas import tpu_sc as plsc

L = 16
R_BLK = 4
NBUF = 4


@jax.jit
def kernel(x, perm):
    N, D = x.shape
    info = plsc.get_sparse_core_info()
    NC, NS = info.num_cores, info.num_subcores
    NW = NC * NS
    assert N % NW == 0
    RW = N // NW
    NBLK = RW // R_BLK
    NJ = D // L
    assert NBLK % NBUF == 0 and NBLK >= 2 * NBUF

    mesh = plsc.VectorSubcoreMesh(core_axis_name="c", subcore_axis_name="s")

    @functools.partial(
        pl.kernel,
        out_type=jax.ShapeDtypeStruct((N, D), jnp.float32),
        mesh=mesh,
        compiler_params=pltpu.CompilerParams(
            needs_layout_passes=False, disable_bounds_checks=True),
        scratch_types=(
            [pltpu.VMEM((D,), jnp.int32)]
            + [pltpu.VMEM((R_BLK, D), jnp.float32)] * (2 * NBUF)
            + [pltpu.SemaphoreType.DMA] * (2 * NBUF)
        ),
    )
    def k(x_hbm, perm_hbm, out_hbm, perm_v, *rest):
        ins = rest[:NBUF]
        outs = rest[NBUF:2 * NBUF]
        isems = rest[2 * NBUF:3 * NBUF]
        osems = rest[3 * NBUF:]

        wid = lax.axis_index("s") * NC + lax.axis_index("c")
        base = wid * RW

        pltpu.sync_copy(perm_hbm, perm_v)

        def start_in(blk, b):
            pltpu.async_copy(
                x_hbm.at[pl.ds(base + blk * R_BLK, R_BLK)], ins[b], isems[b])

        def wait_in(b):
            pltpu.make_async_copy(
                x_hbm.at[pl.ds(base, R_BLK)], ins[b], isems[b]).wait()

        def start_out(blk, b):
            pltpu.async_copy(
                outs[b], out_hbm.at[pl.ds(base + blk * R_BLK, R_BLK)],
                osems[b])

        def wait_out(b):
            pltpu.make_async_copy(
                outs[b], out_hbm.at[pl.ds(base, R_BLK)], osems[b]).wait()

        def compute(b):
            ib = ins[b]
            ob = outs[b]

            @plsc.parallel_loop(0, NJ, unroll=4)
            def j_loop(j):
                col = perm_v[pl.ds(j * L, L)]
                for r in range(R_BLK):
                    rowv = jnp.full((L,), r, jnp.int32)
                    v = plsc.load_gather(ib, [rowv, col])
                    ob[r, pl.ds(j * L, L)] = v

        for b in range(NBUF - 1):
            start_in(b, b)

        @pl.loop(0, NBLK, step=NBUF)
        def blk_loop(blk0):
            for b in range(NBUF):
                blk = blk0 + b
                nxt = jnp.minimum(blk + NBUF - 1, NBLK - 1)
                start_in(nxt, (b + NBUF - 1) % NBUF)
                wait_in(b)

                @pl.when(blk >= NBUF)
                def _():
                    wait_out(b)

                compute(b)
                start_out(blk, b)

        for b in range(NBUF - 1):
            wait_in(b)
        for b in range(NBUF):
            wait_out(b)

    return k(x, perm)

# --- scband reference (transcript-rebuilt; emitter-appended) ---
"""Pipeline reference for scband-permute-13134009991611 (READ-ONLY COPY).

The authoritative reference and input builder live on the scoring server;
editing this copy changes nothing except your own understanding.
"""

import jax, jax.numpy as jnp
import numpy as np

D = 2048
N = 32768

def setup_inputs(seed: int = 0) -> dict:
    key = jax.random.key(seed)
    kx, kp = jax.random.split(key)
    x = jax.random.normal(kx, (N, D), dtype=jnp.float32)
    # fixed permutation created at module init (torch.randperm(d))
    perm = jax.random.permutation(kp, D).astype(jnp.int32)
    return {"x": x, "perm": perm}

def reference(x, perm):
    # x[:, permute_idxs] -> gather along last dim
    return jnp.take(x, perm, axis=1)

if __name__ == "__main__":
    import jax
    _d = setup_inputs()
    print(jax.jit(kernel)(*tuple(_d.values())))

</pallas_src>

<mosaic_0001>
#map = affine_map<(d0, d1) -> (0, 0)>
#map1 = affine_map<(d0, d1) -> (0)>
module attributes {stable_mosaic.version = 14 : i64} {
  func.func @k(%arg0: i32, %arg1: i32, %arg2: memref<32768x2048xf32, #tpu.memory_space<hbm>>, %arg3: memref<2048xi32, #tpu.memory_space<hbm>>, %arg4: memref<32768x2048xf32, #tpu.memory_space<hbm>>, %arg5: memref<2048xi32, #tpu.memory_space<vmem>>, %arg6: memref<4x2048xf32, #tpu.memory_space<vmem>>, %arg7: memref<4x2048xf32, #tpu.memory_space<vmem>>, %arg8: memref<4x2048xf32, #tpu.memory_space<vmem>>, %arg9: memref<4x2048xf32, #tpu.memory_space<vmem>>, %arg10: memref<4x2048xf32, #tpu.memory_space<vmem>>, %arg11: memref<4x2048xf32, #tpu.memory_space<vmem>>, %arg12: memref<4x2048xf32, #tpu.memory_space<vmem>>, %arg13: memref<4x2048xf32, #tpu.memory_space<vmem>>, %arg14: memref<!tpu.dma_semaphore, #tpu.memory_space<semaphore_mem>>, %arg15: memref<!tpu.dma_semaphore, #tpu.memory_space<semaphore_mem>>, %arg16: memref<!tpu.dma_semaphore, #tpu.memory_space<semaphore_mem>>, %arg17: memref<!tpu.dma_semaphore, #tpu.memory_space<semaphore_mem>>, %arg18: memref<!tpu.dma_semaphore, #tpu.memory_space<semaphore_mem>>, %arg19: memref<!tpu.dma_semaphore, #tpu.memory_space<semaphore_mem>>, %arg20: memref<!tpu.dma_semaphore, #tpu.memory_space<semaphore_mem>>, %arg21: memref<!tpu.dma_semaphore, #tpu.memory_space<semaphore_mem>>) attributes {dimension_semantics = [#tpu.dimension_semantics<core_parallel>, #tpu.dimension_semantics<subcore_parallel>], iteration_bounds = array<i64: 2, 16>, scalar_prefetch = 0 : i64, scratch_operands = 17 : i64, tpu.core_type = #tpu.core_type<sc_vector_subcore>, window_params = [{transform_indices = #map}, {transform_indices = #map1}, {transform_indices = #map}]} {
    %mul3A = arith.constant 2 : i32
    %mul3A_0 = arith.muli %arg1, %mul3A : i32
    %add3A = arith.addi %mul3A_0, %arg0 : i32
    %mul3A_1 = arith.constant 1024 : i32
    %mul3A_2 = arith.muli %add3A, %mul3A_1 : i32
    "tpu.region"() ({
      %run_scoped3A = tpu.sem_alloc : memref<!tpu.dma_semaphore, #tpu.memory_space<semaphore_mem>>
      tpu.enqueue_dma source(%arg3 : memref<2048xi32, #tpu.memory_space<hbm>>) target(%arg5 : memref<2048xi32, #tpu.memory_space<vmem>>) target_semaphore(%run_scoped3A : memref<!tpu.dma_semaphore, #tpu.memory_space<semaphore_mem>>)
      tpu.wait_dma2 semaphore(%run_scoped3A : memref<!tpu.dma_semaphore, #tpu.memory_space<semaphore_mem>>) src(%arg3 : memref<2048xi32, #tpu.memory_space<hbm>>) dst(%arg5 : memref<2048xi32, #tpu.memory_space<vmem>>)
      tpu.yield
    }) : () -> ()
    %add3A_3 = arith.constant 0 : i32
    %add3A_4 = arith.addi %mul3A_2, %add3A_3 : i32
    %dma_start3A = arith.constant 0 : i32
    %dma_start3A_5 = tpu.memref_slice %arg2[%add3A_4, %dma_start3A] : memref<32768x2048xf32, #tpu.memory_space<hbm>> -> memref<4x2048xf32, #tpu.memory_space<hbm>>
    %dma_start3A_6 = arith.constant 0 : i32
    %dma_start3A_7 = tpu.memref_slice %arg2[%add3A_4, %dma_start3A_6] : memref<32768x2048xf32, #tpu.memory_space<hbm>> -> memref<4x2048xf32, #tpu.memory_space<hbm>>
    tpu.enqueue_dma source(%dma_start3A_7 : memref<4x2048xf32, #tpu.memory_space<hbm>>) target(%arg6 : memref<4x2048xf32, #tpu.memory_space<vmem>>) target_semaphore(%arg14 : memref<!tpu.dma_semaphore, #tpu.memory_space<semaphore_mem>>)
    %add3A_8 = arith.constant 4 : i32
    %add3A_9 = arith.addi %mul3A_2, %add3A_8 : i32
    %dma_start3A_10 = arith.constant 0 : i32
    %dma_start3A_11 = tpu.memref_slice %arg2[%add3A_9, %dma_start3A_10] : memref<32768x2048xf32, #tpu.memory_space<hbm>> -> memref<4x2048xf32, #tpu.memory_space<hbm>>
    %dma_start3A_12 = arith.constant 0 : i32
    %dma_start3A_13 = tpu.memref_slice %arg2[%add3A_9, %dma_start3A_12] : memref<32768x2048xf32, #tpu.memory_space<hbm>> -> memref<4x2048xf32, #tpu.memory_space<hbm>>
    tpu.enqueue_dma source(%dma_start3A_13 : memref<4x2048xf32, #tpu.memory_space<hbm>>) target(%arg7 : memref<4x2048xf32, #tpu.memory_space<vmem>>) target_semaphore(%arg15 : memref<!tpu.dma_semaphore, #tpu.memory_space<semaphore_mem>>)
    %add3A_14 = arith.constant 8 : i32
    %add3A_15 = arith.addi %mul3A_2, %add3A_14 : i32
    %dma_start3A_16 = arith.constant 0 : i32
    %dma_start3A_17 = tpu.memref_slice %arg2[%add3A_15, %dma_start3A_16] : memref<32768x2048xf32, #tpu.memory_space<hbm>> -> memref<4x2048xf32, #tpu.memory_space<hbm>>
    %dma_start3A_18 = arith.constant 0 : i32
    %dma_start3A_19 = tpu.memref_slice %arg2[%add3A_15, %dma_start3A_18] : memref<32768x2048xf32, #tpu.memory_space<hbm>> -> memref<4x2048xf32, #tpu.memory_space<hbm>>
    tpu.enqueue_dma source(%dma_start3A_19 : memref<4x2048xf32, #tpu.memory_space<hbm>>) target(%arg8 : memref<4x2048xf32, #tpu.memory_space<vmem>>) target_semaphore(%arg16 : memref<!tpu.dma_semaphore, #tpu.memory_space<semaphore_mem>>)
    %scan3A = arith.constant 0 : i32
    %scan3A_20 = arith.constant 64 : i32
    %scan3A_21 = arith.addi %scan3A, %scan3A_20 : i32
    %scan3A_22 = arith.constant 1 : i32
    scf.for %scan3A_51 = %scan3A to %scan3A_21 step %scan3A_22  : i32 {
      %mul3A_52 = arith.constant 4 : i32
      %mul3A_53 = arith.muli %scan3A_51, %mul3A_52 : i32
      %add3A_54 = arith.constant 0 : i32
      %add3A_55 = arith.addi %add3A_54, %mul3A_53 : i32
      %add3A_56 = arith.constant 0 : i32
      %add3A_57 = arith.addi %add3A_55, %add3A_56 : i32
      %add3A_58 = arith.constant 4 : i32
      %add3A_59 = arith.addi %add3A_57, %add3A_58 : i32
      %sub3A = arith.constant 1 : i32
      %sub3A_60 = arith.subi %add3A_59, %sub3A : i32
      %min3A = arith.constant 255 : i32
      %min3A_61 = arith.minsi %sub3A_60, %min3A : i32
      %mul3A_62 = arith.constant 4 : i32
      %mul3A_63 = arith.muli %min3A_61, %mul3A_62 : i32
      %add3A_64 = arith.addi %mul3A_2, %mul3A_63 : i32
      %dma_start3A_65 = arith.constant 0 : i32
      %dma_start3A_66 = tpu.memref_slice %arg2[%add3A_64, %dma_start3A_65] : memref<32768x2048xf32, #tpu.memory_space<hbm>> -> memref<4x2048xf32, #tpu.memory_space<hbm>>
      %dma_start3A_67 = arith.constant 0 : i32
      %dma_start3A_68 = tpu.memref_slice %arg2[%add3A_64, %dma_start3A_67] : memref<32768x2048xf32, #tpu.memory_space<hbm>> -> memref<4x2048xf32, #tpu.memory_space<hbm>>
      tpu.enqueue_dma source(%dma_start3A_68 : memref<4x2048xf32, #tpu.memory_space<hbm>>) target(%arg9 : memref<4x2048xf32, #tpu.memory_space<vmem>>) target_semaphore(%arg17 : memref<!tpu.dma_semaphore, #tpu.memory_space<semaphore_mem>>)
      %dma_wait3A_69 = arith.constant 0 : i32
      %dma_wait3A_70 = tpu.memref_slice %arg2[%mul3A_2, %dma_wait3A_69] : memref<32768x2048xf32, #tpu.memory_space<hbm>> -> memref<4x2048xf32, #tpu.memory_space<hbm>>
      %dma_wait3A_71 = arith.constant 0 : i32
      %dma_wait3A_72 = tpu.memref_slice %arg2[%mul3A_2, %dma_wait3A_71] : memref<32768x2048xf32, #tpu.memory_space<hbm>> -> memref<4x2048xf32, #tpu.memory_space<hbm>>
      tpu.wait_dma2 semaphore(%arg14 : memref<!tpu.dma_semaphore, #tpu.memory_space<semaphore_mem>>) src(%dma_wait3A_72 : memref<4x2048xf32, #tpu.memory_space<hbm>>) dst(%arg6 : memref<4x2048xf32, #tpu.memory_space<vmem>>)
      %ge3A = arith.constant 4 : i32
      %ge3A_73 = arith.cmpi sge, %add3A_57, %ge3A : i32
      %convert_element_type3A = arith.extui %ge3A_73 : i1 to i32
      %cond3A = arith.constant 0 : i32
      %cond3A_74 = arith.cmpi ne, %convert_element_type3A, %cond3A : i32
      scf.if %cond3A_74 {
        %dma_wait3A_186 = arith.constant 0 : i32
        %dma_wait3A_187 = tpu.memref_slice %arg4[%mul3A_2, %dma_wait3A_186] : memref<32768x2048xf32, #tpu.memory_space<hbm>> -> memref<4x2048xf32, #tpu.memory_space<hbm>>
        %dma_wait3A_188 = arith.constant 0 : i32
        %dma_wait3A_189 = tpu.memref_slice %arg4[%mul3A_2, %dma_wait3A_188] : memref<32768x2048xf32, #tpu.memory_space<hbm>> -> memref<4x2048xf32, #tpu.memory_space<hbm>>
        tpu.wait_dma2 semaphore(%arg18 : memref<!tpu.dma_semaphore, #tpu.memory_space<semaphore_mem>>) src(%arg10 : memref<4x2048xf32, #tpu.memory_space<vmem>>) dst(%dma_wait3A_189 : memref<4x2048xf32, #tpu.memory_space<hbm>>)
      } else {
      }
      %parallel_loop3A = arith.constant 0 : i32
      %parallel_loop3A_75 = arith.constant 128 : i32
      %parallel_loop3A_76 = arith.constant 1 : i32
      scf.for %parallel_loop3A_186 = %parallel_loop3A to %parallel_loop3A_75 step %parallel_loop3A_76  : i32 {
        %parallel_loop3A_187 = arith.constant 16 : i32
        %parallel_loop3A_188 = arith.muli %parallel_loop3A_186, %parallel_loop3A_187 : i32
        %parallel_loop3A_189 = arith.index_cast %parallel_loop3A_188 : i32 to index
        %parallel_loop3A_190 = tpu.vector_load %arg5[%parallel_loop3A_189] {strides = array<i32>} : memref<2048xi32, #tpu.memory_space<vmem>>, vector<16xi32>,
        %parallel_loop3A_191 = arith.constant 0 : i32
        %parallel_loop3A_192 = vector.broadcast %parallel_loop3A_191 : i32 to vector<16xi32>
        %parallel_loop3A_193 = tpu.vector_load_idx %arg6[%parallel_loop3A_192, %parallel_loop3A_190] : memref<4x2048xf32, #tpu.memory_space<vmem>>[vector<16xi32>, vector<16xi32>], vector<16xf32>,
        %parallel_loop3A_194 = arith.constant 16 : i32
        %parallel_loop3A_195 = arith.muli %parallel_loop3A_186, %parallel_loop3A_194 : i32
        %parallel_loop3A_196 = arith.constant 0 : i32
        %parallel_loop3A_197 = arith.index_cast %parallel_loop3A_196 : i32 to index
        %parallel_loop3A_198 = arith.index_cast %parallel_loop3A_195 : i32 to index
        %parallel_loop3A_199 = tpu.vector_load %arg10[%parallel_loop3A_197, %parallel_loop3A_198] {strides = array<i32>} : memref<4x2048xf32, #tpu.memory_space<vmem>>, vector<16xf32>,
        tpu.vector_store %arg10[%parallel_loop3A_197, %parallel_loop3A_198], %parallel_loop3A_193 {strides = array<i32>} : memref<4x2048xf32, #tpu.memory_space<vmem>>, vector<16xf32>,
        %parallel_loop3A_200 = arith.constant 1 : i32
        %parallel_loop3A_201 = vector.broadcast %parallel_loop3A_200 : i32 to vector<16xi32>
        %parallel_loop3A_202 = tpu.vector_load_idx %arg6[%parallel_loop3A_201, %parallel_loop3A_190] : memref<4x2048xf32, #tpu.memory_space<vmem>>[vector<16xi32>, vector<16xi32>], vector<16xf32>,
        %parallel_loop3A_203 = arith.constant 16 : i32
        %parallel_loop3A_204 = arith.muli %parallel_loop3A_186, %parallel_loop3A_203 : i32
        %parallel_loop3A_205 = arith.constant 1 : i32
        %parallel_loop3A_206 = arith.index_cast %parallel_loop3A_205 : i32 to index
        %parallel_loop3A_207 = arith.index_cast %parallel_loop3A_204 : i32 to index
        %parallel_loop3A_208 = tpu.vector_load %arg10[%parallel_loop3A_206, %parallel_loop3A_207] {strides = array<i32>} : memref<4x2048xf32, #tpu.memory_space<vmem>>, vector<16xf32>,
        tpu.vector_store %arg10[%parallel_loop3A_206, %parallel_loop3A_207], %parallel_loop3A_202 {strides = array<i32>} : memref<4x2048xf32, #tpu.memory_space<vmem>>, vector<16xf32>,
        %parallel_loop3A_209 = arith.constant 2 : i32
        %parallel_loop3A_210 = vector.broadcast %parallel_loop3A_209 : i32 to vector<16xi32>
        %parallel_loop3A_211 = tpu.vector_load_idx %arg6[%parallel_loop3A_210, %parallel_loop3A_190] : memref<4x2048xf32, #tpu.memory_space<vmem>>[vector<16xi32>, vector<16xi32>], vector<16xf32>,
        %parallel_loop3A_212 = arith.constant 16 : i32
        %parallel_loop3A_213 = arith.muli %parallel_loop3A_186, %parallel_loop3A_212 : i32
        %parallel_loop3A_214 = arith.constant 2 : i32
        %parallel_loop3A_215 = arith.index_cast %parallel_loop3A_214 : i32 to index
        %parallel_loop3A_216 = arith.index_cast %parallel_loop3A_213 : i32 to index
        %parallel_loop3A_217 = tpu.vector_load %arg10[%parallel_loop3A_215, %parallel_loop3A_216] {strides = array<i32>} : memref<4x2048xf32, #tpu.memory_space<vmem>>, vector<16xf32>,
        tpu.vector_store %arg10[%parallel_loop3A_215, %parallel_loop3A_216], %parallel_loop3A_211 {strides = array<i32>} : memref<4x2048xf32, #tpu.memory_space<vmem>>, vector<16xf32>,
        %parallel_loop3A_218 = arith.constant 3 : i32
        %parallel_loop3A_219 = vector.broadcast %parallel_loop3A_218 : i32 to vector<16xi32>
        %parallel_loop3A_220 = tpu.vector_load_idx %arg6[%parallel_loop3A_219, %parallel_loop3A_190] : memref<4x2048xf32, #tpu.memory_space<vmem>>[vector<16xi32>, vector<16xi32>], vector<16xf32>,
        %parallel_loop3A_221 = arith.constant 16 : i32
        %parallel_loop3A_222 = arith.muli %parallel_loop3A_186, %parallel_loop3A_221 : i32
        %parallel_loop3A_223 = arith.constant 3 : i32
        %parallel_loop3A_224 = arith.index_cast %parallel_loop3A_223 : i32 to index
        %parallel_loop3A_225 = arith.index_cast %parallel_loop3A_222 : i32 to index
        %parallel_loop3A_226 = tpu.vector_load %arg10[%parallel_loop3A_224, %parallel_loop3A_225] {strides = array<i32>} : memref<4x2048xf32, #tpu.memory_space<vmem>>, vector<16xf32>,
        tpu.vector_store %arg10[%parallel_loop3A_224, %parallel_loop3A_225], %parallel_loop3A_220 {strides = array<i32>} : memref<4x2048xf32, #tpu.memory_space<vmem>>, vector<16xf32>,
      } {sc.loop_unroll_factor = 4 : i64, sc.parallel_access}
      %mul3A_77 = arith.constant 4 : i32
      %mul3A_78 = arith.muli %add3A_57, %mul3A_77 : i32
      %add3A_79 = arith.addi %mul3A_2, %mul3A_78 : i32
      %dma_start3A_80 = arith.constant 0 : i32
      %dma_start3A_81 = tpu.memref_slice %arg4[%add3A_79, %dma_start3A_80] : memref<32768x2048xf32, #tpu.memory_space<hbm>> -> memref<4x2048xf32, #tpu.memory_space<hbm>>
      %dma_start3A_82 = arith.constant 0 : i32
      %dma_start3A_83 = tpu.memref_slice %arg4[%add3A_79, %dma_start3A_82] : memref<32768x2048xf32, #tpu.memory_space<hbm>> -> memref<4x2048xf32, #tpu.memory_space<hbm>>
      tpu.enqueue_dma source(%arg10 : memref<4x2048xf32, #tpu.memory_space<vmem>>) target(%dma_start3A_83 : memref<4x2048xf32, #tpu.memory_space<hbm>>) target_semaphore(%arg18 : memref<!tpu.dma_semaphore, #tpu.memory_space<semaphore_mem>>)
      %add3A_84 = arith.constant 1 : i32
      %add3A_85 = arith.addi %add3A_55, %add3A_84 : i32
      %add3A_86 = arith.constant 4 : i32
      %add3A_87 = arith.addi %add3A_85, %add3A_86 : i32
      %sub3A_88 = arith.constant 1 : i32
      %sub3A_89 = arith.subi %add3A_87, %sub3A_88 : i32
      %min3A_90 = arith.constant 255 : i32
      %min3A_91 = arith.minsi %sub3A_89, %min3A_90 : i32
      %mul3A_92 = arith.constant 4 : i32
      %mul3A_93 = arith.muli %min3A_91, %mul3A_92 : i32
      %add3A_94 = arith.addi %mul3A_2, %mul3A_93 : i32
      %dma_start3A_95 = arith.constant 0 : i32
      %dma_start3A_96 = tpu.memref_slice %arg2[%add3A_94, %dma_start3A_95] : memref<32768x2048xf32, #tpu.memory_space<hbm>> -> memref<4x2048xf32, #tpu.memory_space<hbm>>
      %dma_start3A_97 = arith.constant 0 : i32
      %dma_start3A_98 = tpu.memref_slice %arg2[%add3A_94, %dma_start3A_97] : memref<32768x2048xf32, #tpu.memory_space<hbm>> -> memref<4x2048xf32, #tpu.memory_space<hbm>>
      tpu.enqueue_dma source(%dma_start3A_98 : memref<4x2048xf32, #tpu.memory_space<hbm>>) target(%arg6 : memref<4x2048xf32, #tpu.memory_space<vmem>>) target_semaphore(%arg14 : memref<!tpu.dma_semaphore, #tpu.memory_space<semaphore_mem>>)
      %dma_wait3A_99 = arith.constant 0 : i32
      %dma_wait3A_100 = tpu.memref_slice %arg2[%mul3A_2, %dma_wait3A_99] : memref<32768x2048xf32, #tpu.memory_space<hbm>> -> memref<4x2048xf32, #tpu.memory_space<hbm>>
      %dma_wait3A_101 = arith.constant 0 : i32
      %dma_wait3A_102 = tpu.memref_slice %arg2[%mul3A_2, %dma_wait3A_101] : memref<32768x2048xf32, #tpu.memory_space<hbm>> -> memref<4x2048xf32, #tpu.memory_space<hbm>>
      tpu.wait_dma2 semaphore(%arg15 : memref<!tpu.dma_semaphore, #tpu.memory_space<semaphore_mem>>) src(%dma_wait3A_102 : memref<4x2048xf32, #tpu.memory_space<hbm>>) dst(%arg7 : memref<4x2048xf32, #tpu.memory_space<vmem>>)
      %ge3A_103 = arith.constant 4 : i32
      %ge3A_104 = arith.cmpi sge, %add3A_85, %ge3A_103 : i32
      %convert_element_type3A_105 = arith.extui %ge3A_104 : i1 to i32
      %cond3A_106 = arith.constant 0 : i32
      %cond3A_107 = arith.cmpi ne, %convert_element_type3A_105, %cond3A_106 : i32
      scf.if %cond3A_107 {
        %dma_wait3A_186 = arith.constant 0 : i32
        %dma_wait3A_187 = tpu.memref_slice %arg4[%mul3A_2, %dma_wait3A_186] : memref<32768x2048xf32, #tpu.memory_space<hbm>> -> memref<4x2048xf32, #tpu.memory_space<hbm>>
        %dma_wait3A_188 = arith.constant 0 : i32
        %dma_wait3A_189 = tpu.memref_slice %arg4[%mul3A_2, %dma_wait3A_188] : memref<32768x2048xf32, #tpu.memory_space<hbm>> -> memref<4x2048xf32, #tpu.memory_space<hbm>>
        tpu.wait_dma2 semaphore(%arg19 : memref<!tpu.dma_semaphore, #tpu.memory_space<semaphore_mem>>) src(%arg11 : memref<4x2048xf32, #tpu.memory_space<vmem>>) dst(%dma_wait3A_189 : memref<4x2048xf32, #tpu.memory_space<hbm>>)
      } else {
      }
      %parallel_loop3A_108 = arith.constant 0 : i32
      %parallel_loop3A_109 = arith.constant 128 : i32
      %parallel_loop3A_110 = arith.constant 1 : i32
      scf.for %parallel_loop3A_186 = %parallel_loop3A_108 to %parallel_loop3A_109 step %parallel_loop3A_110  : i32 {
        %parallel_loop3A_187 = arith.constant 16 : i32
        %parallel_loop3A_188 = arith.muli %parallel_loop3A_186, %parallel_loop3A_187 : i32
        %parallel_loop3A_189 = arith.index_cast %parallel_loop3A_188 : i32 to index
        %parallel_loop3A_190 = tpu.vector_load %arg5[%parallel_loop3A_189] {strides = array<i32>} : memref<2048xi32, #tpu.memory_space<vmem>>, vector<16xi32>,
        %parallel_loop3A_191 = arith.constant 0 : i32
        %parallel_loop3A_192 = vector.broadcast %parallel_loop3A_191 : i32 to vector<16xi32>
        %parallel_loop3A_193 = tpu.vector_load_idx %arg7[%parallel_loop3A_192, %parallel_loop3A_190] : memref<4x2048xf32, #tpu.memory_space<vmem>>[vector<16xi32>, vector<16xi32>], vector<16xf32>,
        %parallel_loop3A_194 = arith.constant 16 : i32
        %parallel_loop3A_195 = arith.muli %parallel_loop3A_186, %parallel_loop3A_194 : i32
        %parallel_loop3A_196 = arith.constant 0 : i32
        %parallel_loop3A_197 = arith.index_cast %parallel_loop3A_196 : i32 to index
        %parallel_loop3A_198 = arith.index_cast %parallel_loop3A_195 : i32 to index
        %parallel_loop3A_199 = tpu.vector_load %arg11[%parallel_loop3A_197, %parallel_loop3A_198] {strides = array<i32>} : memref<4x2048xf32, #tpu.memory_space<vmem>>, vector<16xf32>,
        tpu.vector_store %arg11[%parallel_loop3A_197, %parallel_loop3A_198], %parallel_loop3A_193 {strides = array<i32>} : memref<4x2048xf32, #tpu.memory_space<vmem>>, vector<16xf32>,
        %parallel_loop3A_200 = arith.constant 1 : i32
        %parallel_loop3A_201 = vector.broadcast %parallel_loop3A_200 : i32 to vector<16xi32>
        %parallel_loop3A_202 = tpu.vector_load_idx %arg7[%parallel_loop3A_201, %parallel_loop3A_190] : memref<4x2048xf32, #tpu.memory_space<vmem>>[vector<16xi32>, vector<16xi32>], vector<16xf32>,
        %parallel_loop3A_203 = arith.constant 16 : i32
        %parallel_loop3A_204 = arith.muli %parallel_loop3A_186, %parallel_loop3A_203 : i32
        %parallel_loop3A_205 = arith.constant 1 : i32
        %parallel_loop3A_206 = arith.index_cast %parallel_loop3A_205 : i32 to index
        %parallel_loop3A_207 = arith.index_cast %parallel_loop3A_204 : i32 to index
        %parallel_loop3A_208 = tpu.vector_load %arg11[%parallel_loop3A_206, %parallel_loop3A_207] {strides = array<i32>} : memref<4x2048xf32, #tpu.memory_space<vmem>>, vector<16xf32>,
        tpu.vector_store %arg11[%parallel_loop3A_206, %parallel_loop3A_207], %parallel_loop3A_202 {strides = array<i32>} : memref<4x2048xf32, #tpu.memory_space<vmem>>, vector<16xf32>,
        %parallel_loop3A_209 = arith.constant 2 : i32
        %parallel_loop3A_210 = vector.broadcast %parallel_loop3A_209 : i32 to vector<16xi32>
        %parallel_loop3A_211 = tpu.vector_load_idx %arg7[%parallel_loop3A_210, %parallel_loop3A_190] : memref<4x2048xf32, #tpu.memory_space<vmem>>[vector<16xi32>, vector<16xi32>], vector<16xf32>,
        %parallel_loop3A_212 = arith.constant 16 : i32
        %parallel_loop3A_213 = arith.muli %parallel_loop3A_186, %parallel_loop3A_212 : i32
        %parallel_loop3A_214 = arith.constant 2 : i32
        %parallel_loop3A_215 = arith.index_cast %parallel_loop3A_214 : i32 to index
        %parallel_loop3A_216 = arith.index_cast %parallel_loop3A_213 : i32 to index
        %parallel_loop3A_217 = tpu.vector_load %arg11[%parallel_loop3A_215, %parallel_loop3A_216] {strides = array<i32>} : memref<4x2048xf32, #tpu.memory_space<vmem>>, vector<16xf32>,
        tpu.vector_store %arg11[%parallel_loop3A_215, %parallel_loop3A_216], %parallel_loop3A_211 {strides = array<i32>} : memref<4x2048xf32, #tpu.memory_space<vmem>>, vector<16xf32>,
        %parallel_loop3A_218 = arith.constant 3 : i32
        %parallel_loop3A_219 = vector.broadcast %parallel_loop3A_218 : i32 to vector<16xi32>
        %parallel_loop3A_220 = tpu.vector_load_idx %arg7[%parallel_loop3A_219, %parallel_loop3A_190] : memref<4x2048xf32, #tpu.memory_space<vmem>>[vector<16xi32>, vector<16xi32>], vector<16xf32>,
        %parallel_loop3A_221 = arith.constant 16 : i32
        %parallel_loop3A_222 = arith.muli %parallel_loop3A_186, %parallel_loop3A_221 : i32
        %parallel_loop3A_223 = arith.constant 3 : i32
        %parallel_loop3A_224 = arith.index_cast %parallel_loop3A_223 : i32 to index
        %parallel_loop3A_225 = arith.index_cast %parallel_loop3A_222 : i32 to index
        %parallel_loop3A_226 = tpu.vector_load %arg11[%parallel_loop3A_224, %parallel_loop3A_225] {strides = array<i32>} : memref<4x2048xf32, #tpu.memory_space<vmem>>, vector<16xf32>,
        tpu.vector_store %arg11[%parallel_loop3A_224, %parallel_loop3A_225], %parallel_loop3A_220 {strides = array<i32>} : memref<4x2048xf32, #tpu.memory_space<vmem>>, vector<16xf32>,
      } {sc.loop_unroll_factor = 4 : i64, sc.parallel_access}
      %mul3A_111 = arith.constant 4 : i32
      %mul3A_112 = arith.muli %add3A_85, %mul3A_111 : i32
      %add3A_113 = arith.addi %mul3A_2, %mul3A_112 : i32
      %dma_start3A_114 = arith.constant 0 : i32
      %dma_start3A_115 = tpu.memref_slice %arg4[%add3A_113, %dma_start3A_114] : memref<32768x2048xf32, #tpu.memory_space<hbm>> -> memref<4x2048xf32, #tpu.memory_space<hbm>>
      %dma_start3A_116 = arith.constant 0 : i32
      %dma_start3A_117 = tpu.memref_slice %arg4[%add3A_113, %dma_start3A_116] : memref<32768x2048xf32, #tpu.memory_space<hbm>> -> memref<4x2048xf32, #tpu.memory_space<hbm>>
      tpu.enqueue_dma source(%arg11 : memref<4x2048xf32, #tpu.memory_space<vmem>>) target(%dma_start3A_117 : memref<4x2048xf32, #tpu.memory_space<hbm>>) target_semaphore(%arg19 : memref<!tpu.dma_semaphore, #tpu.memory_space<semaphore_mem>>)
      %add3A_118 = arith.constant 2 : i32
      %add3A_119 = arith.addi %add3A_55, %add3A_118 : i32
      %add3A_120 = arith.constant 4 : i32
      %add3A_121 = arith.addi %add3A_119, %add3A_120 : i32
      %sub3A_122 = arith.constant 1 : i32
      %sub3A_123 = arith.subi %add3A_121, %sub3A_122 : i32
      %min3A_124 = arith.constant 255 : i32
      %min3A_125 = arith.minsi %sub3A_123, %min3A_124 : i32
      %mul3A_126 = arith.constant 4 : i32
      %mul3A_127 = arith.muli %min3A_125, %mul3A_126 : i32
      %add3A_128 = arith.addi %mul3A_2, %mul3A_127 : i32
      %dma_start3A_129 = arith.constant 0 : i32
      %dma_start3A_130 = tpu.memref_slice %arg2[%add3A_128, %dma_start3A_129] : memref<32768x2048xf32, #tpu.memory_space<hbm>> -> memref<4x2048xf32, #tpu.memory_space<hbm>>
      %dma_start3A_131 = arith.constant 0 : i32
      %dma_start3A_132 = tpu.memref_slice %arg2[%add3A_128, %dma_start3A_131] : memref<32768x2048xf32, #tpu.memory_space<hbm>> -> memref<4x2048xf32, #tpu.memory_space<hbm>>
      tpu.enqueue_dma source(%dma_start3A_132 : memref<4x2048xf32, #tpu.memory_space<hbm>>) target(%arg7 : memref<4x2048xf32, #tpu.memory_space<vmem>>) target_semaphore(%arg15 : memref<!tpu.dma_semaphore, #tpu.memory_space<semaphore_mem>>)
      %dma_wait3A_133 = arith.constant 0 : i32
      %dma_wait3A_134 = tpu.memref_slice %arg2[%mul3A_2, %dma_wait3A_133] : memref<32768x2048xf32, #tpu.memory_space<hbm>> -> memref<4x2048xf32, #tpu.memory_space<hbm>>
      %dma_wait3A_135 = arith.constant 0 : i32
      %dma_wait3A_136 = tpu.memref_slice %arg2[%mul3A_2, %dma_wait3A_135] : memref<32768x2048xf32, #tpu.memory_space<hbm>> -> memref<4x2048xf32, #tpu.memory_space<hbm>>
      tpu.wait_dma2 semaphore(%arg16 : memref<!tpu.dma_semaphore, #tpu.memory_space<semaphore_mem>>) src(%dma_wait3A_136 : memref<4x2048xf32, #tpu.memory_space<hbm>>) dst(%arg8 : memref<4x2048xf32, #tpu.memory_space<vmem>>)
      %ge3A_137 = arith.constant 4 : i32
      %ge3A_138 = arith.cmpi sge, %add3A_119, %ge3A_137 : i32
      %convert_element_type3A_139 = arith.extui %ge3A_138 : i1 to i32
      %cond3A_140 = arith.constant 0 : i32
      %cond3A_141 = arith.cmpi ne, %convert_element_type3A_139, %cond3A_140 : i32
      scf.if %cond3A_141 {
        %dma_wait3A_186 = arith.constant 0 : i32
        %dma_wait3A_187 = tpu.memref_slice %arg4[%mul3A_2, %dma_wait3A_186] : memref<32768x2048xf32, #tpu.memory_space<hbm>> -> memref<4x2048xf32, #tpu.memory_space<hbm>>
        %dma_wait3A_188 = arith.constant 0 : i32
        %dma_wait3A_189 = tpu.memref_slice %arg4[%mul3A_2, %dma_wait3A_188] : memref<32768x2048xf32, #tpu.memory_space<hbm>> -> memref<4x2048xf32, #tpu.memory_space<hbm>>
        tpu.wait_dma2 semaphore(%arg20 : memref<!tpu.dma_semaphore, #tpu.memory_space<semaphore_mem>>) src(%arg12 : memref<4x2048xf32, #tpu.memory_space<vmem>>) dst(%dma_wait3A_189 : memref<4x2048xf32, #tpu.memory_space<hbm>>)
      } else {
      }
      %parallel_loop3A_142 = arith.constant 0 : i32
      %parallel_loop3A_143 = arith.constant 128 : i32
      %parallel_loop3A_144 = arith.constant 1 : i32
      scf.for %parallel_loop3A_186 = %parallel_loop3A_142 to %parallel_loop3A_143 step %parallel_loop3A_144  : i32 {
        %parallel_loop3A_187 = arith.constant 16 : i32
        %parallel_loop3A_188 = arith.muli %parallel_loop3A_186, %parallel_loop3A_187 : i32
        %parallel_loop3A_189 = arith.index_cast %parallel_loop3A_188 : i32 to index
        %parallel_loop3A_190 = tpu.vector_load %arg5[%parallel_loop3A_189] {strides = array<i32>} : memref<2048xi32, #tpu.memory_space<vmem>>, vector<16xi32>,
        %parallel_loop3A_191 = arith.constant 0 : i32
        %parallel_loop3A_192 = vector.broadcast %parallel_loop3A_191 : i32 to vector<16xi32>
        %parallel_loop3A_193 = tpu.vector_load_idx %arg8[%parallel_loop3A_192, %parallel_loop3A_190] : memref<4x2048xf32, #tpu.memory_space<vmem>>[vector<16xi32>, vector<16xi32>], vector<16xf32>,
        %parallel_loop3A_194 = arith.constant 16 : i32
        %parallel_loop3A_195 = arith.muli %parallel_loop3A_186, %parallel_loop3A_194 : i32
        %parallel_loop3A_196 = arith.constant 0 : i32
        %parallel_loop3A_197 = arith.index_cast %parallel_loop3A_196 : i32 to index
        %parallel_loop3A_198 = arith.index_cast %parallel_loop3A_195 : i32 to index
        %parallel_loop3A_199 = tpu.vector_load %arg12[%parallel_loop3A_197, %parallel_loop3A_198] {strides = array<i32>} : memref<4x2048xf32, #tpu.memory_space<vmem>>, vector<16xf32>,
        tpu.vector_store %arg12[%parallel_loop3A_197, %parallel_loop3A_198], %parallel_loop3A_193 {strides = array<i32>} : memref<4x2048xf32, #tpu.memory_space<vmem>>, vector<16xf32>,
        %parallel_loop3A_200 = arith.constant 1 : i32
        %parallel_loop3A_201 = vector.broadcast %parallel_loop3A_200 : i32 to vector<16xi32>
        %parallel_loop3A_202 = tpu.vector_load_idx %arg8[%parallel_loop3A_201, %parallel_loop3A_190] : memref<4x2048xf32, #tpu.memory_space<vmem>>[vector<16xi32>, vector<16xi32>], vector<16xf32>,
        %parallel_loop3A_203 = arith.constant 16 : i32
        %parallel_loop3A_204 = arith.muli %parallel_loop3A_186, %parallel_loop3A_203 : i32
        %parallel_loop3A_205 = arith.constant 1 : i32
        %parallel_loop3A_206 = arith.index_cast %parallel_loop3A_205 : i32 to index
        %parallel_loop3A_207 = arith.index_cast %parallel_loop3A_204 : i32 to index
        %parallel_loop3A_208 = tpu.vector_load %arg12[%parallel_loop3A_206, %parallel_loop3A_207] {strides = array<i32>} : memref<4x2048xf32, #tpu.memory_space<vmem>>, vector<16xf32>,
        tpu.vector_store %arg12[%parallel_loop3A_206, %parallel_loop3A_207], %parallel_loop3A_202 {strides = array<i32>} : memref<4x2048xf32, #tpu.memory_space<vmem>>, vector<16xf32>,
        %parallel_loop3A_209 = arith.constant 2 : i32
        %parallel_loop3A_210 = vector.broadcast %parallel_loop3A_209 : i32 to vector<16xi32>
        %parallel_loop3A_211 = tpu.vector_load_idx %arg8[%parallel_loop3A_210, %parallel_loop3A_190] : memref<4x2048xf32, #tpu.memory_space<vmem>>[vector<16xi32>, vector<16xi32>], vector<16xf32>,
        %parallel_loop3A_212 = arith.constant 16 : i32
        %parallel_loop3A_213 = arith.muli %parallel_loop3A_186, %parallel_loop3A_212 : i32
        %parallel_loop3A_214 = arith.constant 2 : i32
        %parallel_loop3A_215 = arith.index_cast %parallel_loop3A_214 : i32 to index
        %parallel_loop3A_216 = arith.index_cast %parallel_loop3A_213 : i32 to index
        %parallel_loop3A_217 = tpu.vector_load %arg12[%parallel_loop3A_215, %parallel_loop3A_216] {strides = array<i32>} : memref<4x2048xf32, #tpu.memory_space<vmem>>, vector<16xf32>,
        tpu.vector_store %arg12[%parallel_loop3A_215, %parallel_loop3A_216], %parallel_loop3A_211 {strides = array<i32>} : memref<4x2048xf32, #tpu.memory_space<vmem>>, vector<16xf32>,
        %parallel_loop3A_218 = arith.constant 3 : i32
        %parallel_loop3A_219 = vector.broadcast %parallel_loop3A_218 : i32 to vector<16xi32>
        %parallel_loop3A_220 = tpu.vector_load_idx %arg8[%parallel_loop3A_219, %parallel_loop3A_190] : memref<4x2048xf32, #tpu.memory_space<vmem>>[vector<16xi32>, vector<16xi32>], vector<16xf32>,
        %parallel_loop3A_221 = arith.constant 16 : i32
        %parallel_loop3A_222 = arith.muli %parallel_loop3A_186, %parallel_loop3A_221 : i32
        %parallel_loop3A_223 = arith.constant 3 : i32
        %parallel_loop3A_224 = arith.index_cast %parallel_loop3A_223 : i32 to index
        %parallel_loop3A_225 = arith.index_cast %parallel_loop3A_222 : i32 to index
        %parallel_loop3A_226 = tpu.vector_load %arg12[%parallel_loop3A_224, %parallel_loop3A_225] {strides = array<i32>} : memref<4x2048xf32, #tpu.memory_space<vmem>>, vector<16xf32>,
        tpu.vector_store %arg12[%parallel_loop3A_224, %parallel_loop3A_225], %parallel_loop3A_220 {strides = array<i32>} : memref<4x2048xf32, #tpu.memory_space<vmem>>, vector<16xf32>,
      } {sc.loop_unroll_factor = 4 : i64, sc.parallel_access}
      %mul3A_145 = arith.constant 4 : i32
      %mul3A_146 = arith.muli %add3A_119, %mul3A_145 : i32
      %add3A_147 = arith.addi %mul3A_2, %mul3A_146 : i32
      %dma_start3A_148 = arith.constant 0 : i32
      %dma_start3A_149 = tpu.memref_slice %arg4[%add3A_147, %dma_start3A_148] : memref<32768x2048xf32, #tpu.memory_space<hbm>> -> memref<4x2048xf32, #tpu.memory_space<hbm>>
      %dma_start3A_150 = arith.constant 0 : i32
      %dma_start3A_151 = tpu.memref_slice %arg4[%add3A_147, %dma_start3A_150] : memref<32768x2048xf32, #tpu.memory_space<hbm>> -> memref<4x2048xf32, #tpu.memory_space<hbm>>
      tpu.enqueue_dma source(%arg12 : memref<4x2048xf32, #tpu.memory_space<vmem>>) target(%dma_start3A_151 : memref<4x2048xf32, #tpu.memory_space<hbm>>) target_semaphore(%arg20 : memref<!tpu.dma_semaphore, #tpu.memory_space<semaphore_mem>>)
      %add3A_152 = arith.constant 3 : i32
      %add3A_153 = arith.addi %add3A_55, %add3A_152 : i32
      %add3A_154 = arith.constant 4 : i32
      %add3A_155 = arith.addi %add3A_153, %add3A_154 : i32
      %sub3A_156 = arith.constant 1 : i32
      %sub3A_157 = arith.subi %add3A_155, %sub3A_156 : i32
      %min3A_158 = arith.constant 255 : i32
      %min3A_159 = arith.minsi %sub3A_157, %min3A_158 : i32
      %mul3A_160 = arith.constant 4 : i32
      %mul3A_161 = arith.muli %min3A_159, %mul3A_160 : i32
      %add3A_162 = arith.addi %mul3A_2, %mul3A_161 : i32
      %dma_start3A_163 = arith.constant 0 : i32
      %dma_start3A_164 = tpu.memref_slice %arg2[%add3A_162, %dma_start3A_163] : memref<32768x2048xf32, #tpu.memory_space<hbm>> -> memref<4x2048xf32, #tpu.memory_space<hbm>>
      %dma_start3A_165 = arith.constant 0 : i32
      %dma_start3A_166 = tpu.memref_slice %arg2[%add3A_162, %dma_start3A_165] : memref<32768x2048xf32, #tpu.memory_space<hbm>> -> memref<4x2048xf32, #tpu.memory_space<hbm>>
      tpu.enqueue_dma source(%dma_start3A_166 : memref<4x2048xf32, #tpu.memory_space<hbm>>) target(%arg8 : memref<4x2048xf32, #tpu.memory_space<vmem>>) target_semaphore(%arg16 : memref<!tpu.dma_semaphore, #tpu.memory_space<semaphore_mem>>)
      %dma_wait3A_167 = arith.constant 0 : i32
      %dma_wait3A_168 = tpu.memref_slice %arg2[%mul3A_2, %dma_wait3A_167] : memref<32768x2048xf32, #tpu.memory_space<hbm>> -> memref<4x2048xf32, #tpu.memory_space<hbm>>
      %dma_wait3A_169 = arith.constant 0 : i32
      %dma_wait3A_170 = tpu.memref_slice %arg2[%mul3A_2, %dma_wait3A_169] : memref<32768x2048xf32, #tpu.memory_space<hbm>> -> memref<4x2048xf32, #tpu.memory_space<hbm>>
      tpu.wait_dma2 semaphore(%arg17 : memref<!tpu.dma_semaphore, #tpu.memory_space<semaphore_mem>>) src(%dma_wait3A_170 : memref<4x2048xf32, #tpu.memory_space<hbm>>) dst(%arg9 : memref<4x2048xf32, #tpu.memory_space<vmem>>)
      %ge3A_171 = arith.constant 4 : i32
      %ge3A_172 = arith.cmpi sge, %add3A_153, %ge3A_171 : i32
      %convert_element_type3A_173 = arith.extui %ge3A_172 : i1 to i32
      %cond3A_174 = arith.constant 0 : i32
      %cond3A_175 = arith.cmpi ne, %convert_element_type3A_173, %cond3A_174 : i32
      scf.if %cond3A_175 {
        %dma_wait3A_186 = arith.constant 0 : i32
        %dma_wait3A_187 = tpu.memref_slice %arg4[%mul3A_2, %dma_wait3A_186] : memref<32768x2048xf32, #tpu.memory_space<hbm>> -> memref<4x2048xf32, #tpu.memory_space<hbm>>
        %dma_wait3A_188 = arith.constant 0 : i32
        %dma_wait3A_189 = tpu.memref_slice %arg4[%mul3A_2, %dma_wait3A_188] : memref<32768x2048xf32, #tpu.memory_space<hbm>> -> memref<4x2048xf32, #tpu.memory_space<hbm>>
        tpu.wait_dma2 semaphore(%arg21 : memref<!tpu.dma_semaphore, #tpu.memory_space<semaphore_mem>>) src(%arg13 : memref<4x2048xf32, #tpu.memory_space<vmem>>) dst(%dma_wait3A_189 : memref<4x2048xf32, #tpu.memory_space<hbm>>)
      } else {
      }
      %parallel_loop3A_176 = arith.constant 0 : i32
      %parallel_loop3A_177 = arith.constant 128 : i32
      %parallel_loop3A_178 = arith.constant 1 : i32
      scf.for %parallel_loop3A_186 = %parallel_loop3A_176 to %parallel_loop3A_177 step %parallel_loop3A_178  : i32 {
        %parallel_loop3A_187 = arith.constant 16 : i32
        %parallel_loop3A_188 = arith.muli %parallel_loop3A_186, %parallel_loop3A_187 : i32
        %parallel_loop3A_189 = arith.index_cast %parallel_loop3A_188 : i32 to index
        %parallel_loop3A_190 = tpu.vector_load %arg5[%parallel_loop3A_189] {strides = array<i32>} : memref<2048xi32, #tpu.memory_space<vmem>>, vector<16xi32>,
        %parallel_loop3A_191 = arith.constant 0 : i32
        %parallel_loop3A_192 = vector.broadcast %parallel_loop3A_191 : i32 to vector<16xi32>
        %parallel_loop3A_193 = tpu.vector_load_idx %arg9[%parallel_loop3A_192, %parallel_loop3A_190] : memref<4x2048xf32, #tpu.memory_space<vmem>>[vector<16xi32>, vector<16xi32>], vector<16xf32>,
        %parallel_loop3A_194 = arith.constant 16 : i32
        %parallel_loop3A_195 = arith.muli %parallel_loop3A_186, %parallel_loop3A_194 : i32
        %parallel_loop3A_196 = arith.constant 0 : i32
        %parallel_loop3A_197 = arith.index_cast %parallel_loop3A_196 : i32 to index
        %parallel_loop3A_198 = arith.index_cast %parallel_loop3A_195 : i32 to index
        %parallel_loop3A_199 = tpu.vector_load %arg13[%parallel_loop3A_197, %parallel_loop3A_198] {strides = array<i32>} : memref<4x2048xf32, #tpu.memory_space<vmem>>, vector<16xf32>,
        tpu.vector_store %arg13[%parallel_loop3A_197, %parallel_loop3A_198], %parallel_loop3A_193 {strides = array<i32>} : memref<4x2048xf32, #tpu.memory_space<vmem>>, vector<16xf32>,
        %parallel_loop3A_200 = arith.constant 1 : i32
        %parallel_loop3A_201 = vector.broadcast %parallel_loop3A_200 : i32 to vector<16xi32>
        %parallel_loop3A_202 = tpu.vector_load_idx %arg9[%parallel_loop3A_201, %parallel_loop3A_190] : memref<4x2048xf32, #tpu.memory_space<vmem>>[vector<16xi32>, vector<16xi32>], vector<16xf32>,
        %parallel_loop3A_203 = arith.constant 16 : i32
        %parallel_loop3A_204 = arith.muli %parallel_loop3A_186, %parallel_loop3A_203 : i32
        %parallel_loop3A_205 = arith.constant 1 : i32
        %parallel_loop3A_206 = arith.index_cast %parallel_loop3A_205 : i32 to index
        %parallel_loop3A_207 = arith.index_cast %parallel_loop3A_204 : i32 to index
        %parallel_loop3A_208 = tpu.vector_load %arg13[%parallel_loop3A_206, %parallel_loop3A_207] {strides = array<i32>} : memref<4x2048xf32, #tpu.memory_space<vmem>>, vector<16xf32>,
        tpu.vector_store %arg13[%parallel_loop3A_206, %parallel_loop3A_207], %parallel_loop3A_202 {strides = array<i32>} : memref<4x2048xf32, #tpu.memory_space<vmem>>, vector<16xf32>,
        %parallel_loop3A_209 = arith.constant 2 : i32
        %parallel_loop3A_210 = vector.broadcast %parallel_loop3A_209 : i32 to vector<16xi32>
        %parallel_loop3A_211 = tpu.vector_load_idx %arg9[%parallel_loop3A_210, %parallel_loop3A_190] : memref<4x2048xf32, #tpu.memory_space<vmem>>[vector<16xi32>, vector<16xi32>], vector<16xf32>,
        %parallel_loop3A_212 = arith.constant 16 : i32
        %parallel_loop3A_213 = arith.muli %parallel_loop3A_186, %parallel_loop3A_212 : i32
        %parallel_loop3A_214 = arith.constant 2 : i32
        %parallel_loop3A_215 = arith.index_cast %parallel_loop3A_214 : i32 to index
        %parallel_loop3A_216 = arith.index_cast %parallel_loop3A_213 : i32 to index
        %parallel_loop3A_217 = tpu.vector_load %arg13[%parallel_loop3A_215, %parallel_loop3A_216] {strides = array<i32>} : memref<4x2048xf32, #tpu.memory_space<vmem>>, vector<16xf32>,
        tpu.vector_store %arg13[%parallel_loop3A_215, %parallel_loop3A_216], %parallel_loop3A_211 {strides = array<i32>} : memref<4x2048xf32, #tpu.memory_space<vmem>>, vector<16xf32>,
        %parallel_loop3A_218 = arith.constant 3 : i32
        %parallel_loop3A_219 = vector.broadcast %parallel_loop3A_218 : i32 to vector<16xi32>
        %parallel_loop3A_220 = tpu.vector_load_idx %arg9[%parallel_loop3A_219, %parallel_loop3A_190] : memref<4x2048xf32, #tpu.memory_space<vmem>>[vector<16xi32>, vector<16xi32>], vector<16xf32>,
        %parallel_loop3A_221 = arith.constant 16 : i32
        %parallel_loop3A_222 = arith.muli %parallel_loop3A_186, %parallel_loop3A_221 : i32
        %parallel_loop3A_223 = arith.constant 3 : i32
        %parallel_loop3A_224 = arith.index_cast %parallel_loop3A_223 : i32 to index
        %parallel_loop3A_225 = arith.index_cast %parallel_loop3A_222 : i32 to index
        %parallel_loop3A_226 = tpu.vector_load %arg13[%parallel_loop3A_224, %parallel_loop3A_225] {strides = array<i32>} : memref<4x2048xf32, #tpu.memory_space<vmem>>, vector<16xf32>,
        tpu.vector_store %arg13[%parallel_loop3A_224, %parallel_loop3A_225], %parallel_loop3A_220 {strides = array<i32>} : memref<4x2048xf32, #tpu.memory_space<vmem>>, vector<16xf32>,
      } {sc.loop_unroll_factor = 4 : i64, sc.parallel_access}
      %mul3A_179 = arith.constant 4 : i32
      %mul3A_180 = arith.muli %add3A_153, %mul3A_179 : i32
      %add3A_181 = arith.addi %mul3A_2, %mul3A_180 : i32
      %dma_start3A_182 = arith.constant 0 : i32
      %dma_start3A_183 = tpu.memref_slice %arg4[%add3A_181, %dma_start3A_182] : memref<32768x2048xf32, #tpu.memory_space<hbm>> -> memref<4x2048xf32, #tpu.memory_space<hbm>>
      %dma_start3A_184 = arith.constant 0 : i32
      %dma_start3A_185 = tpu.memref_slice %arg4[%add3A_181, %dma_start3A_184] : memref<32768x2048xf32, #tpu.memory_space<hbm>> -> memref<4x2048xf32, #tpu.memory_space<hbm>>
      tpu.enqueue_dma source(%arg13 : memref<4x2048xf32, #tpu.memory_space<vmem>>) target(%dma_start3A_185 : memref<4x2048xf32, #tpu.memory_space<hbm>>) target_semaphore(%arg21 : memref<!tpu.dma_semaphore, #tpu.memory_space<semaphore_mem>>)
    }
    %scan3A_23 = arith.constant 64 : i32
    %dma_wait3A = arith.constant 0 : i32
    %dma_wait3A_24 = tpu.memref_slice %arg2[%mul3A_2, %dma_wait3A] : memref<32768x2048xf32, #tpu.memory_space<hbm>> -> memref<4x2048xf32, #tpu.memory_space<hbm>>
    %dma_wait3A_25 = arith.constant 0 : i32
    %dma_wait3A_26 = tpu.memref_slice %arg2[%mul3A_2, %dma_wait3A_25] : memref<32768x2048xf32, #tpu.memory_space<hbm>> -> memref<4x2048xf32, #tpu.memory_space<hbm>>
    tpu.wait_dma2 semaphore(%arg14 : memref<!tpu.dma_semaphore, #tpu.memory_space<semaphore_mem>>) src(%dma_wait3A_26 : memref<4x2048xf32, #tpu.memory_space<hbm>>) dst(%arg6 : memref<4x2048xf32, #tpu.memory_space<vmem>>)
    %dma_wait3A_27 = arith.constant 0 : i32
    %dma_wait3A_28 = tpu.memref_slice %arg2[%mul3A_2, %dma_wait3A_27] : memref<32768x2048xf32, #tpu.memory_space<hbm>> -> memref<4x2048xf32, #tpu.memory_space<hbm>>
    %dma_wait3A_29 = arith.constant 0 : i32
    %dma_wait3A_30 = tpu.memref_slice %arg2[%mul3A_2, %dma_wait3A_29] : memref<32768x2048xf32, #tpu.memory_space<hbm>> -> memref<4x2048xf32, #tpu.memory_space<hbm>>
    tpu.wait_dma2 semaphore(%arg15 : memref<!tpu.dma_semaphore, #tpu.memory_space<semaphore_mem>>) src(%dma_wait3A_30 : memref<4x2048xf32, #tpu.memory_space<hbm>>) dst(%arg7 : memref<4x2048xf32, #tpu.memory_space<vmem>>)
    %dma_wait3A_31 = arith.constant 0 : i32
    %dma_wait3A_32 = tpu.memref_slice %arg2[%mul3A_2, %dma_wait3A_31] : memref<32768x2048xf32, #tpu.memory_space<hbm>> -> memref<4x2048xf32, #tpu.memory_space<hbm>>
    %dma_wait3A_33 = arith.constant 0 : i32
    %dma_wait3A_34 = tpu.memref_slice %arg2[%mul3A_2, %dma_wait3A_33] : memref<32768x2048xf32, #tpu.memory_space<hbm>> -> memref<4x2048xf32, #tpu.memory_space<hbm>>
    tpu.wait_dma2 semaphore(%arg16 : memref<!tpu.dma_semaphore, #tpu.memory_space<semaphore_mem>>) src(%dma_wait3A_34 : memref<4x2048xf32, #tpu.memory_space<hbm>>) dst(%arg8 : memref<4x2048xf32, #tpu.memory_space<vmem>>)
    %dma_wait3A_35 = arith.constant 0 : i32
    %dma_wait3A_36 = tpu.memref_slice %arg4[%mul3A_2, %dma_wait3A_35] : memref<32768x2048xf32, #tpu.memory_space<hbm>> -> memref<4x2048xf32, #tpu.memory_space<hbm>>
    %dma_wait3A_37 = arith.constant 0 : i32
    %dma_wait3A_38 = tpu.memref_slice %arg4[%mul3A_2, %dma_wait3A_37] : memref<32768x2048xf32, #tpu.memory_space<hbm>> -> memref<4x2048xf32, #tpu.memory_space<hbm>>
    tpu.wait_dma2 semaphore(%arg18 : memref<!tpu.dma_semaphore, #tpu.memory_space<semaphore_mem>>) src(%arg10 : memref<4x2048xf32, #tpu.memory_space<vmem>>) dst(%dma_wait3A_38 : memref<4x2048xf32, #tpu.memory_space<hbm>>)
    %dma_wait3A_39 = arith.constant 0 : i32
    %dma_wait3A_40 = tpu.memref_slice %arg4[%mul3A_2, %dma_wait3A_39] : memref<32768x2048xf32, #tpu.memory_space<hbm>> -> memref<4x2048xf32, #tpu.memory_space<hbm>>
    %dma_wait3A_41 = arith.constant 0 : i32
    %dma_wait3A_42 = tpu.memref_slice %arg4[%mul3A_2, %dma_wait3A_41] : memref<32768x2048xf32, #tpu.memory_space<hbm>> -> memref<4x2048xf32, #tpu.memory_space<hbm>>
    tpu.wait_dma2 semaphore(%arg19 : memref<!tpu.dma_semaphore, #tpu.memory_space<semaphore_mem>>) src(%arg11 : memref<4x2048xf32, #tpu.memory_space<vmem>>) dst(%dma_wait3A_42 : memref<4x2048xf32, #tpu.memory_space<hbm>>)
    %dma_wait3A_43 = arith.constant 0 : i32
    %dma_wait3A_44 = tpu.memref_slice %arg4[%mul3A_2, %dma_wait3A_43] : memref<32768x2048xf32, #tpu.memory_space<hbm>> -> memref<4x2048xf32, #tpu.memory_space<hbm>>
    %dma_wait3A_45 = arith.constant 0 : i32
    %dma_wait3A_46 = tpu.memref_slice %arg4[%mul3A_2, %dma_wait3A_45] : memref<32768x2048xf32, #tpu.memory_space<hbm>> -> memref<4x2048xf32, #tpu.memory_space<hbm>>
    tpu.wait_dma2 semaphore(%arg20 : memref<!tpu.dma_semaphore, #tpu.memory_space<semaphore_mem>>) src(%arg12 : memref<4x2048xf32, #tpu.memory_space<vmem>>) dst(%dma_wait3A_46 : memref<4x2048xf32, #tpu.memory_space<hbm>>)
    %dma_wait3A_47 = arith.constant 0 : i32
    %dma_wait3A_48 = tpu.memref_slice %arg4[%mul3A_2, %dma_wait3A_47] : memref<32768x2048xf32, #tpu.memory_space<hbm>> -> memref<4x2048xf32, #tpu.memory_space<hbm>>
    %dma_wait3A_49 = arith.constant 0 : i32
    %dma_wait3A_50 = tpu.memref_slice %arg4[%mul3A_2, %dma_wait3A_49] : memref<32768x2048xf32, #tpu.memory_space<hbm>> -> memref<4x2048xf32, #tpu.memory_space<hbm>>
    tpu.wait_dma2 semaphore(%arg21 : memref<!tpu.dma_semaphore, #tpu.memory_space<semaphore_mem>>) src(%arg13 : memref<4x2048xf32, #tpu.memory_space<vmem>>) dst(%dma_wait3A_50 : memref<4x2048xf32, #tpu.memory_space<hbm>>)
    return
  }
}

</mosaic_0001>

<sc_bundles>
// kernel: kernel.3.cloned.1.call-start
scs
__scs_entry_jumppad:
0x0: {  	(pc) =	sbr.rel $0x88, $3  }
0x1: {  	(tag) =	ssettag $0x0;
	lr =	simm.s32 $0x1  }
0x2: {  	[smem:$0x3F9F] =	sst lr;
	_ =	strace $0xD0000000  }
0x3: {  	_ = 	snop  }
0x4: {  	_ = 	snop  }
0x5: {  	_ = 	snop  }
0x6: {  	_ = 	snop  }
0x7: {  	_ = 	snop  }
__scs_overlays_trampoline_lowered:
0x8: {  	[smem:$0x3FAE] =	sst s0  }
0x9: {  	[smem:$0x3FAF] =	sst s1  }
0xa: {  	[smem:$0x3FB0] =	sst s2  }
0xb: {  	[smem:$0x3FB1] =	sst s3  }
0xc: {  	[smem:$0x3FB2] =	sst s4  }
0xd: {  	[smem:$0x3FB3] =	sst s5  }
0xe: {  	[smem:$0x3FB4] =	sst s6  }
0xf: {  	[smem:$0x3FB5] =	sst s7  }
0x10: {  	[smem:$0x3FB6] =	sst s8  }
0x11: {  	[smem:$0x3FB7] =	sst s9;
	s0 =	simm.s32 @!p0 $0x0  }
0x12: {  	s1 =	sld [smem:$0x3F9D];
	s0 =	simm.s32 @p0 $0x1  }
0x13: {  	[smem:$0x3FB8] =	sst s0;
	s0 =	simm.s32 @!p1 $0x0  }
0x14: {  	s2 =	sld [smem:$0x3F9C];
	s0 =	simm.s32 @p1 $0x1  }
0x15: {  	[smem:$0x3FB9] =	sst s0;
	s0 =	simm.s32 @!p2 $0x0  }
0x16: {  	s3 =	sld [smem:$0x3FDB];
	s0 =	simm.s32 @p2 $0x1  }
0x17: {  	s4 =	simm.s32 $0x1BF5;
	[smem:$0x3FBB] =	sst s0  }
0x18: {  	s0 =	sld [smem:$0x3F9E];
	_ =	swait.ge [sflag:s4], $0x0  }
0x19: {  	s7 =	sld [smem:$0x3F9F]  }
0x1a: {  	s8 =	sadd.s32 $0xFFFFE003, lr  }
0x1b: {  	s9 =	sadd.s32 $0xFFFFFEF7, lr;
	s5 =	simm.s32 $0xFFFFFFFF;
	p2 =	slt.u32 s8, $0xFFFFF086  }
0x1c: {  	p1 =	slt.u32 s9, $0xF7A;
	s5 =	simm.s32 @!p2 $0x0  }
0x1d: {  	s5 =	simm.s32 @p1 $0x1;
	p0 =	seq.s32 s7, s2  }
0x1e: {  	s7 =	smul.u32 @!p0 $0xF7A, s2;
	p2 =	seq.s32 @!p0 s5, $0x0  }
0x1f: {  	s9 =	smul.u32 $0xF7A, s1;
	s8 =	simm.s32 @!p0 $0x1BF5;
	p2 =	por !p2, p0  }
0x20: {  	[sflag:s8] =	ssyncset.s32 @!p0 $0xFFFFF086;
	s6 =	sadd.s32 @!p0 s3, s7;
	s7 =	simm.s32 @!p0 $0x108  }
0x21: {  	s3 =	sadd.s32 s3, s9;
	s6 =	sadd.s32 @!p0 $0x88, s6;
	s7 =	simm.s32 @p2 $0x1082  }
0x22: {  	[simem:s7], [sflag:s8] =	dma.local @!p0 [hbm:s6], $0xF7A  }
0x23: {  	s9 =	sor.u32 $0xD0000000, s2;
	s6 =	simm.s32 $0x108;
	_ =	swait.ge @!p0 [sflag:s8], $0x0  }
0x24: {  	s3 =	sadd.s32 $0x88, s3;
	s6 =	simm.s32 @!p1 $0x1082;
	[sflag:s4] =	ssyncset.s32 $0xFFFFF086  }
0x25: {  	[simem:s6], [sflag:s4] =	dma.local [hbm:s3], $0xF7A  }
0x26: {  	[smem:$0x3F9F] =	sst s1;
	(tag) =	ssettag s2;
	_ =	strace s9  }
0x27: {  	s1 =	sld [smem:$0x3FAF]  }
0x28: {  	s2 =	sld [smem:$0x3FB0]  }
0x29: {  	s4 =	sld [smem:$0x3FB2]  }
0x2a: {  	p0 =	seq.s32 s5, $0x0;
	s5 =	sld [smem:$0x3FB3]  }
0x2b: {  	s6 =	sld [smem:$0x3FB4]  }
0x2c: {  	s7 =	sld [smem:$0x3FB5]  }
0x2d: {  	s3 =	simm.s32 $0x108;
	s8 =	sld [smem:$0x3FB6]  }
0x2e: {  	s3 =	simm.s32 @!p0 $0x1082;
	s9 =	sld [smem:$0x3FB7]  }
0x2f: {  	lr =	sadd.s32 s0, s3;
	s0 =	sld [smem:$0x3FAE]  }
0x30: {  	s3 =	sld [smem:$0x3FB1]  }
0x31: {  	[smem:$0x3FBA] =	sst s10  }
0x32: {  	s10 =	sld [smem:$0x3FB8];
	_ =	sdelay $0x3  }
0x33: {  	p0 =	seq.s32 s10, $0x1;
	s10 =	sld [smem:$0x3FBA];
	_ =	sdelay $0x3  }
0x34: {  	[smem:$0x3FBA] =	sst s10  }
0x35: {  	s10 =	sld [smem:$0x3FB9];
	_ =	sdelay $0x3  }
0x36: {  	p1 =	seq.s32 s10, $0x1;
	s10 =	sld [smem:$0x3FBA];
	_ =	sdelay $0x3  }
0x37: {  	[smem:$0x3FBA] =	sst s10  }
0x38: {  	s10 =	sld [smem:$0x3FBB]  }
0x39: {  	_ = 	snop;
	(pc) =	sbr.ind lr, $3  }
0x3a: {  	_ = 	snop  }
0x3b: {  	_ = 	snop  }
0x3c: {  	p2 =	seq.s32 s10, $0x1;
	s10 =	sld [smem:$0x3FBA]  }
0x3d: {  	_ =	shalt  }
0x3e: {  	_ =	shalt  }
0x3f: {  	_ =	shalt  }
0x40: {  	_ =	shalt  }
0x41: {  	_ =	shalt  }
0x42: {  	_ =	shalt  }
0x43: {  	_ =	shalt  }
0x44: {  	_ =	shalt  }
0x45: {  	_ =	shalt  }
0x46: {  	_ =	shalt  }
0x47: {  	_ =	shalt  }
0x48: {  	_ =	shalt  }
0x49: {  	_ =	shalt  }
0x4a: {  	_ =	shalt  }
0x4b: {  	_ =	shalt  }
0x4c: {  	_ =	shalt  }
0x4d: {  	_ =	shalt  }
0x4e: {  	_ =	shalt  }
0x4f: {  	_ =	shalt  }
0x50: {  	_ =	shalt  }
0x51: {  	_ =	shalt  }
0x52: {  	_ =	shalt  }
0x53: {  	_ =	shalt  }
0x54: {  	_ =	shalt  }
0x55: {  	_ =	shalt  }
0x56: {  	_ =	shalt  }
0x57: {  	_ =	shalt  }
0x58: {  	_ =	shalt  }
0x59: {  	_ =	shalt  }
0x5a: {  	_ =	shalt  }
0x5b: {  	_ =	shalt  }
0x5c: {  	_ =	shalt  }
0x5d: {  	_ =	shalt  }
0x5e: {  	_ =	shalt  }
0x5f: {  	_ =	shalt  }
0x60: {  	_ =	shalt  }
0x61: {  	_ =	shalt  }
0x62: {  	_ =	shalt  }
0x63: {  	_ =	shalt  }
0x64: {  	_ =	shalt  }
0x65: {  	_ =	shalt  }
0x66: {  	_ =	shalt  }
0x67: {  	_ =	shalt  }
0x68: {  	_ =	shalt  }
0x69: {  	_ =	shalt  }
0x6a: {  	_ =	shalt  }
0x6b: {  	_ =	shalt  }
0x6c: {  	_ =	shalt  }
0x6d: {  	_ =	shalt  }
0x6e: {  	_ =	shalt  }
0x6f: {  	_ =	shalt  }
0x70: {  	_ =	shalt  }
0x71: {  	_ =	shalt  }
0x72: {  	_ =	shalt  }
0x73: {  	_ =	shalt  }
0x74: {  	_ =	shalt  }
0x75: {  	_ =	shalt  }
0x76: {  	_ =	shalt  }
0x77: {  	_ =	shalt  }
0x78: {  	_ =	shalt  }
0x79: {  	_ =	shalt  }
0x7a: {  	_ =	shalt  }
0x7b: {  	_ =	shalt  }
0x7c: {  	_ =	shalt  }
0x7d: {  	_ =	shalt  }
0x7e: {  	_ =	shalt  }
0x7f: {  	_ =	shalt  }
0x80: {  	_ =	shalt  }
0x81: {  	_ =	shalt  }
0x82: {  	_ =	shalt  }
0x83: {  	_ =	shalt  }
0x84: {  	_ =	shalt  }
0x85: {  	_ =	shalt  }
0x86: {  	_ =	shalt  }
0x87: {  	_ =	shalt  }
.Lfunc_end0:
.L_simem_size_0:
called_computation_lowered:
.L_overlay_start_0:
0x88: {  	s2 =	sld [smem:$0x3FD9]  }
0x89: {  	s3 =	sld [smem:$0x3FFE];
	_ =	sdelay $0x1  }
0x8a: {  	s1 =	srdreg.scid  }
0x8b: {  	s0 =	sand.u32 $0x1, s1  }
0x8c: {  	s18 =	sshll.u32 s0, $0xA;
	s2 =	sadd.s32 s3, s2  }
0x8d: {  	s2 =	sadd.s32 s2, s18  }
0x8e: {  	[smem:$0x3FC6] =	sst s2  }
0x8f: {  	_ = 	snop  }
0x90: {  	s2 =	sld [smem:$0x3FC9]  }
0x91: {  	s19 =	sld [smem:$0x3FC8]  }
0x92: {  	s4 =	sld [smem:$0x3FD0];
	(tm) =	ssettm $0x1  }
0x93: {  	s5 =	sld [smem:$0x3FFB];
	_ =	sdelay $0x3  }
0x94: {  	_ =	strace s5  }
0x95: {  	s5 =	sld [smem:$0x3FFC];
	_ =	sdelay $0x3  }
0x96: {  	_ =	strace s5  }
0x97: {  	s5 =	sld [smem:$0x3FFD];
	_ =	sdelay $0x3  }
0x98: {  	_ =	strace s5  }
0x99: {  	_ =	strace $0x8FFFFFFF  }
0x9a: {  	s20 =	sld [smem:$0x3FDB];
	_ =	sdelay $0x1  }
0x9b: {  	s6 =	simm.s32 $_scs_section_size  }
0x9c: {  	s7 =	simm.s32 $_size__tile_overlayer_lowered;
	s8 =	simm.s32 $_tile_overlayer_lowered  }
0x9d: {  	s23 =	simm.s32 $0x1BFF;
	s22 =	sshll.u32 s8, $0x1;
	s5 =	sadd.s32 s6, s20  }
0x9e: {  	s9 =	simm.s32 $0x0;
	s21 =	sshll.u32 s7, $0x1;
	s7 =	sadd.s32 s22, s5  }
0x9f: {  	[timem:s9], [sflag:s23] =	dma.local [hbm:s7], s21  }
0xa0: {  	_ =	swait.ge [sflag:s23], s21  }
0xa1: {  	s6 =	ssub.s32 $0x0, s21;
	[sflag:s23] =	ssyncset.done $0x0  }
0xa2: {  	[sflag:s23] =	ssyncadd.s32 s6;
	_ =	sdelay $0x1  }
0xa3: {  	s24 =	simm.s32 $0x1B8B  }
0xa4: {  	_ =	swait.ge [sflag:s24], $0x1  }
0xa5: {  	[sflag:s24] =	ssyncset.done $0x0  }
0xa6: {  	s25 =	simm.s32 $0x1B8E;
	[sflag:s24] =	ssyncadd.s32 $0xFFFFFFFF  }
0xa7: {  	s26 =	simm.s32 $execute0_lowered;
	[smem:$0x3FD2] =	sst s25  }
0xa8: {  	s6 =	sshll.u32 s26, $0x1;
	_ =	strace $0x80000046;
	[dreg:$0x1] =	wrdreg $0xFFFFFFFF  }
0xa9: {  	s28 =	simm.s32 $_size_execute0_lowered;
	s5 =	sadd.s32 s5, s6;
	[dreg:$0x0] =	wrdreg $0x0  }
0xaa: {  	s6 =	sshll.u32 s28, $0x1;
	[dreg:$0x2] =	wrdreg s5  }
0xab: {  	[dreg:$0x3] =	wrdreg s6  }
0xac: {  	[dreg:$0x4] =	wrdreg $0xC0  }
0xad: {  	_ =	task [dreg:s9], $0x5FFFF  }
0xae: {  	[dreg:$0x1] =	wrdreg $0xFFFFFFFF  }
0xaf: {  	[dreg:$0x0] =	wrdreg $0x60  }
0xb0: {  	[dreg:$0x2] =	wrdreg s2  }
0xb1: {  	[dreg:$0x3] =	wrdreg s19  }
0xb2: {  	[dreg:$0x4] =	wrdreg s4  }
0xb3: {  	[dreg:$0x5] =	wrdreg $0x9  }
0xb4: {  	_ =	task.clear_ibuf [dreg:s9], $0x6FFFF;
	_ =	strace $0x90000046  }
0xb5: {  	s29 =	simm.s32 $0x9;
	_ =	strace $0x80000048  }
0xb6: {  	_ =	swait.ge [sflag:s29], $0x1  }
0xb7: {  	[sflag:s29] =	ssyncadd.s32 $0xFFFFFFFF  }
0xb8: {  	_ =	strace $0x90000048  }
0xb9: {  	_ =	sfence  }
0xba: {  	s30 =	sld [smem:$0x0];
	_ =	sdelay $0x2  }
0xbb: {  	s31 =	sshll.u32 s1, $0xD;
	s1 =	sshrl.u32 s1, $0x2  }
0xbc: {  	s3 =	sand.u32 $0x4000, s31;
	s1 =	sadd.s32 s1, s30  }
0xbd: {  	s0 =	sor.u32 s3, s0;
	s1 =	sshll.u32 s1, $0x11  }
0xbe: {  	s0 =	sor.u32 s1, s0  }
0xbf: {  	s0 =	sadd.s32 $0x8F2B, s0  }
0xc0: {  	[sflag:s0] =	ssyncadd.remote.s32 $0x1  }
0xc1: {  	_ =	sfence.sel $0xFFFF  }
0xc2: {  	[dreg:$0x0] =	wrdreg $0xFFFFFFFF;
	(pc) =	sbr.abs _section_cstart, $3  }
0xc3: {  	[dreg:$0x1] =	wrdreg $0xFFFFFFFF  }
0xc4: {  	_ =	task.clear_ibuf [dreg:s9], $0x2FFFF;
	_ =	strace $0x9FFFFFFF  }
0xc5: {  	(tm) =	ssettm $0x7FFFFFFF  }
tec
execute0_lowered:
.L_overlay_start_1:
0x0: {  	(tag) =	ssettag $0x1  }
0x1: {  	s4 =	rddreg [dreg:$0x0]  }
0x2: {  	s5 =	rddreg [dreg:$0x2]  }
0x3: {  	s0 =	srdreg.scid;
	s3 =	simm.s32 $0x0;
	s2 =	stileid.u32  }
0x4: {  	s0 =	sand.u32 $0x1, s0;
	s2 =	sshll.u32 s2, $0x13;
	[smem:$0x7FF] =	sst s3  }
0x5: {  	s30 =	sadd.s32 $0x40, s5;
	s31 =	sadd.s32 $0x800, s5;
	s1 =	ssub.s32 $0x2, s0  }
0x6: {  	s0 =	sshll.u32 s0, $0x12;
	_ =	strace $0x80000047;
	[dreg:$0x9] =	wrdreg s30  }
0x7: {  	s16 =	simm.s32 $0x200;
	[dreg:$0xb] =	wrdreg s31;
	s2 =	sor.u32 s0, s2  }
0x8: {  	s26 =	sadd.s32 s4, s2;
	[dreg:$0x4] =	wrdreg s2;
	s2 =	sor.u32 $0x840, s2  }
0x9: {  	s17 =	simm.s32 $0x400;
	s18 =	simm.s32 $0x800;
	[dreg:$0x8] =	wrdreg s2  }
0xa: {  	s19 =	simm.s32 $0x2800;
	s28 =	sadd.s32 $0x40, s26;
	[dreg:$0x5] =	wrdreg s26  }
0xb: {  	s24 =	sshrl.u32 s1, $0x1;
	s29 =	sadd.s32 $0x800, s26;
	[dreg:$0x6] =	wrdreg s28  }
0xc: {  	s25 =	ssub.s32 s1, s24;
	s1 =	sadd.s32 $0x1040, s26;
	[dreg:$0x7] =	wrdreg s29  }
0xd: {  	s20 =	simm.s32 $0x4800;
	s0 =	smax.u32 s25, $0x1;
	[dreg:$0xa] =	wrdreg s1  }
0xe: {  	s21 =	simm.s32 $0x6800;
	s2 =	simm.s32 $0x0;
	[dreg:$0xc] =	wrdreg s0  }
.LBB2_1:
0xf: {  	[dreg:$0xd] =	wrdreg s2  }
0x10: {  	s0 =	rddreg [dreg:$0x1];
	s1 =	simm.s32 $0x0;
	s28 =	simm.s32 $0x9  }
0x11: {  	[tilespmem:s1], [sflag:$0x9] =	stream.linear.gather [hbm4b:s0+s1], $0x800, $0x38;
	[tilespmem:$0x10800] =	vst v63  }
0x12: {  	_ =	swait.ge [sflag:s28], $0x800  }
0x13: {  	[sflag:s28] =	ssyncset.done $0x0  }
0x14: {  	s29 =	rddreg [dreg:$0x5];
	[sflag:s28] =	ssyncadd.s32 $0xFFFFF800  }
0x15: {  	[tilespmem:s18], [sflag:$0x1] =	stream.strided.gather [hbm4b:s29+s16], $0x2000, s17, s16, $0x38;
	[tilespmem:$0x10800] =	vst v63  }
0x16: {  	s30 =	rddreg [dreg:$0x6]  }
0x17: {  	[tilespmem:s19], [sflag:$0x2] =	stream.strided.gather [hbm4b:s30+s16], $0x2000, s17, s16, $0x38;
	[tilespmem:$0x10800] =	vst v63  }
0x18: {  	s8 =	simm.s32 $0x0;
	s31 =	rddreg [dreg:$0x7]  }
0x19: {  	[tilespmem:s20], [sflag:$0x3] =	stream.strided.gather [hbm4b:s31+s16], $0x2000, s17, s16, $0x38;
	[tilespmem:$0x10800] =	vst v63  }
.LBB2_2:
0x1a: {  	s7 =	sshll.u32 s8, $0xC;
	s0 =	rddreg [dreg:$0x8]  }
0x1b: {  	s22 =	rddreg [dreg:$0x0];
	s1 =	sadd.s32 s0, s7  }
0x1c: {  	s23 =	simm.s32 $0x1;
	[dreg:$0xe] =	wrdreg s1;
	s0 =	sadd.s32 s22, s1  }
0x1d: {  	[tilespmem:s21], [sflag:$0x4] =	stream.strided.gather [hbm4b:s0+s16], $0x2000, s17, s16, $0x38;
	[tilespmem:$0x10800] =	vst v63  }
0x1e: {  	_ =	swait.ge [sflag:s23], $0x2000  }
0x1f: {  	p0 =	seq.s32 s8, $0x0;
	[sflag:s23] =	ssyncset.done $0x0  }
0x20: {  	s2 =	simm.s32 $0x0;
	s1 =	simm.s32 @!p0 $0x5;
	[sflag:s23] =	ssyncadd.s32 $0xFFFFE000  }
0x21: {  	s24 =	sand.u32 $0x40, s2;
	_ =	swait.ge @!p0 [sflag:s1], $0x2000  }
0x22: {  	s3 =	sand.u32 $0x780, s2;
	s4 =	sor.u32 $0x30, s24;
	[sflag:s1] =	ssyncset.done @!p0 $0x0  }
0x23: {  	s25 =	sor.u32 s4, s3;
	[sflag:s1] =	ssyncadd.s32 @!p0 $0xFFFFE000  }
0x24: {  	s26 =	sor.u32 $0x10, s24;
	v0 =	vld [tilespmem:s25+$0x0]  }
0x25: {  	s12 =	sor.u32 $0x20, s24;
	s5 =	sor.u32 s26, s3  }
0x26: {  	s3 =	sor.u32 s12, s3;
	v1 =	vld [tilespmem:s5+$0x0]  }
0x27: {  	v2 =	vld [tilespmem:s3+$0x0];
	_ =	sdelay $0x1  }
0x28: {  	v3 =	vshll.u32 v0, $0x2  }
0x29: {  	v0 =	vand.u32 $0x7F, v0;
	v3 =	vand.u32 $0xFFFFFE00, v3  }
0x2a: {  	v0 =	vor.u32 v0, v3;
	v3 =	vshll.u32 v1, $0x2  }
0x2b: {  	v4 =	vshll.u32 v2, $0x2;
	v1 =	vand.u32 $0x7F, v1;
	v3 =	vand.u32 $0xFFFFFE00, v3  }
0x2c: {  	v2 =	vand.u32 $0x7F, v2;
	v1 =	vor.u32 v1, v3;
	v3 =	vand.u32 $0xFFFFFE00, v4  }
0x2d: {  	v2 =	vor.u32 v2, v3;
	_ =	sdelay $0x1  }
0x2e: {  	s6 =	simm.s32 $0x40;
	s2 =	sand.u32 $0x1E00, s2;
	s5 =	simm.s32 $0x0;
	v3 =	vld.idx.msk [tilespmem:v0+s18+$0x0], $0xffff  }
0x2f: {  	s11 =	sadd.s32 $0x8800, s2;
	s2 =	sand.u32 $0x40, s6;
	v6 =	vld [tilespmem:s5+$0x0];
	v4 =	vor.u32 $0x80, v0  }
0x30: {  	s13 =	sand.u32 $0x780, s6;
	s9 =	sor.u32 $0x30, s2;
	v5 =	vld.idx.msk [tilespmem:v1+s18+$0x0], $0xffff  }
0x31: {  	s10 =	sor.u32 s9, s13;
	v7 =	vld.idx.msk [tilespmem:v2+s18+$0x0], $0xffff  }
0x32: {  	s4 =	sor.u32 s4, s11;
	v9 =	vld [tilespmem:s10+$0x0];
	v8 =	vor.u32 $0x80, v2  }
0x33: {  	s5 =	sor.u32 $0x10, s2;
	[tilespmem:s4+$0x0] =	vst v3;
	v3 =	vor.u32 $0x80, v1  }
0x34: {  	s1 =	sor.u32 s26, s11;
	s10 =	sor.u32 $0x20, s2;
	s14 =	sor.u32 s5, s13;
	v11 =	vshll.u32 v6, $0x2;
	v4 =	vld.idx.msk [tilespmem:v4+s18+$0x0], $0xffff  }
0x35: {  	s12 =	sor.u32 s12, s11;
	s13 =	sor.u32 s10, s13;
	v10 =	vld [tilespmem:s14+$0x0];
	v6 =	vand.u32 $0x7F, v6;
	v11 =	vand.u32 $0xFFFFFE00, v11;
	v12 =	vor.u32 $0x100, v0;
	[tilespmem:s1+$0x0] =	vst v5  }
0x36: {  	s26 =	simm.s32 $0x80;
	v13 =	vld [tilespmem:s13+$0x0];
	v5 =	vor.u32 v6, v11;
	[tilespmem:s12+$0x0] =	vst v7  }
0x37: {  	s15 =	sand.u32 $0x40, s26;
	v11 =	vshll.u32 v9, $0x2;
	v8 =	vld.idx.msk [tilespmem:v8+s18+$0x0], $0xffff  }
0x38: {  	p1 =	por $0x0, $0x0;
	s23 =	simm.s32 $0x100;
	s31 =	sor.u32 $0x30, s15;
	v9 =	vand.u32 $0x7F, v9;
	v7 =	vor.u32 $0x100, v2;
	v11 =	vand.u32 $0xFFFFFE00, v11;
	v3 =	vld.idx.msk [tilespmem:v3+s18+$0x0], $0xffff  }
0x39: {  	s13 =	sor.u32 s24, s11;
	s24 =	sand.u32 $0x1E00, s23;
	v9 =	vor.u32 v9, v11;
	[tilespmem:s4+$0x80] =	vst v4;
	s4 =	simm.s32 $0x1  }
0x3a: {  	s14 =	sand.u32 $0x780, s26;
	s11 =	sadd.s32 $0x8800, s24;
	v6 =	vor.u32 $0x100, v1;
	v12 =	vld.idx.msk [tilespmem:v12+s18+$0x0], $0xffff;
	s4 =	simm.s32 @!p1 $0x0  }
0x3b: {  	s6 =	sor.u32 s9, s11;
	s9 =	sor.u32 s31, s14;
	v0 =	vor.u32 $0x180, v0;
	v4 =	vshll.u32 v10, $0x2;
	v14 =	vld.idx.msk [tilespmem:v5+s18+$0x0], $0xffff;
	s4 =	sshll.u32 s4, $0x6  }
0x3c: {  	v16 =	vld [tilespmem:s9+$0x0];
	v11 =	vshll.u32 v13, $0x2;
	v10 =	vand.u32 $0x7F, v10;
	v4 =	vand.u32 $0xFFFFFE00, v4;
	s4 =	sadd.s32 $0x0, s4;
	[tilespmem:s12+$0x80] =	vst v8  }
0x3d: {  	v11 =	vand.u32 $0xFFFFFE00, v11;
	v4 =	vor.u32 v10, v4;
	v10 =	vand.u32 $0x7F, v13;
	[tilespmem:s1+$0x80] =	vst v3;
	s1 =	sadd.s32 $0x30, s4;
	v7 =	vld.idx.msk [tilespmem:v7+s18+$0x0], $0xffff  }
0x3e: {  	v8 =	vor.u32 $0x80, v5;
	v3 =	vor.u32 v10, v11;
	v10 =	vld.idx.msk [tilespmem:v9+s18+$0x0], $0xffff;
	s22 =	sor.u32 $0x100, s1  }
0x3f: {  	s25 =	simm.s32 $0x40;
	v6 =	vld.idx.msk [tilespmem:v6+s18+$0x0], $0xffff;
	[tilespmem:s22+$0x8800] =	vst v12  }
0x40: {  	[tilespmem:s13+$0x0] =	vst v14;
	v14 =	vld [tilespmem:s25+$0x0]  }
0x41: {  	v11 =	vld.idx.msk [tilespmem:v0+s18+$0x0], $0xffff;
	v0 =	vor.u32 $0x80, v9  }
0x42: {  	v1 =	vor.u32 $0x180, v1;
	v12 =	vld.idx.msk [tilespmem:v4+s18+$0x0], $0xffff  }
0x43: {  	s0 =	sor.u32 $0x10, s15;
	s22 =	sadd.s32 $0x10, s4;
	v8 =	vld.idx.msk [tilespmem:v8+s18+$0x0], $0xffff  }
0x44: {  	s24 =	sor.u32 s0, s14;
	s23 =	sor.u32 $0x100, s22;
	v13 =	vld.idx.msk [tilespmem:v3+s18+$0x0], $0xffff;
	[tilespmem:s6+$0x0] =	vst v10;
	v10 =	vor.u32 $0x80, v4  }
0x45: {  	v15 =	vor.u32 $0x80, v3;
	[tilespmem:s23+$0x8800] =	vst v6;
	v6 =	vld [tilespmem:s24+$0x0]  }
0x46: {  	s3 =	sor.u32 $0x20, s15;
	v17 =	vor.u32 $0x100, v5;
	v0 =	vld.idx.msk [tilespmem:v0+s18+$0x0], $0xffff  }
0x47: {  	s14 =	sor.u32 s3, s14;
	s5 =	sor.u32 s5, s11;
	v19 =	vor.u32 $0x100, v9;
	v18 =	vld.idx.msk [tilespmem:v1+s18+$0x0], $0xffff;
	v1 =	vshll.u32 v14, $0x2  }
0x48: {  	s10 =	sor.u32 s10, s11;
	v20 =	vld [tilespmem:s14+$0x0];
	v2 =	vor.u32 $0x180, v2;
	v14 =	vand.u32 $0x7F, v14;
	v1 =	vand.u32 $0xFFFFFE00, v1;
	[tilespmem:s5+$0x0] =	vst v12  }
0x49: {  	v12 =	vor.u32 v14, v1;
	v1 =	vld.idx.msk [tilespmem:v10+s18+$0x0], $0xffff;
	[tilespmem:s10+$0x0] =	vst v13  }
0x4a: {  	p1 =	por !p1, !p1;
	s12 =	simm.s32 $0x1;
	s24 =	sadd.s32 $0x20, s4;
	v14 =	vor.u32 $0x100, v3;
	[tilespmem:s13+$0x80] =	vst v8;
	v8 =	vshll.u32 v16, $0x2;
	v10 =	vor.u32 $0x100, v4;
	v15 =	vld.idx.msk [tilespmem:v15+s18+$0x0], $0xffff  }
0x4b: {  	s12 =	simm.s32 @!p1 $0x0;
	s25 =	sor.u32 $0x100, s24;
	v21 =	vld.idx.msk [tilespmem:v17+s18+$0x0], $0xffff;
	v13 =	vand.u32 $0x7F, v16;
	v8 =	vand.u32 $0xFFFFFE00, v8;
	[tilespmem:s6+$0x80] =	vst v0;
	v0 =	vshll.u32 v6, $0x2  }
0x4c: {  	s1 =	sor.u32 $0x180, s1;
	s26 =	sshll.u32 s12, $0x6;
	[tilespmem:s25+$0x8800] =	vst v7;
	v7 =	vld.idx.msk [tilespmem:v19+s18+$0x0], $0xffff;
	v16 =	vand.u32 $0xFFFFFE00, v0;
	v0 =	vor.u32 v13, v8  }
0x4d: {  	s9 =	sadd.s32 $0x100, s26;
	[tilespmem:s1+$0x8800] =	vst v11;
	v8 =	vshll.u32 v20, $0x2;
	v19 =	vld.idx.msk [tilespmem:v2+s18+$0x0], $0xffff;
	v2 =	vand.u32 $0x7F, v6;
	v6 =	vor.u32 $0x180, v9  }
0x4e: {  	s30 =	simm.s32 $0x8;
	s14 =	sshll.u32 s8, $0x2;
	s26 =	sadd.s32 $0x20, s9;
	v22 =	vld.idx.msk [tilespmem:v12+s18+$0x0], $0xffff;
	v8 =	vand.u32 $0xFFFFFE00, v8;
	v23 =	vor.u32 v2, v16;
	v2 =	vand.u32 $0x7F, v20;
	[tilespmem:s5+$0x80] =	vst v1  }
0x4f: {  	s22 =	sor.u32 $0x180, s22;
	s29 =	sor.u32 $0x100, s26;
	s13 =	sadd.s32 $0x30, s9;
	v20 =	vor.u32 v2, v8;
	v13 =	vld.idx.msk [tilespmem:v10+s18+$0x0], $0xffff;
	[tilespmem:s10+$0x80] =	vst v15  }
0x50: {  	s28 =	sor.u32 $0x180, s24;
	s24 =	simm.s32 $0x80;
	v3 =	vor.u32 $0x180, v3;
	s23 =	sor.u32 $0x100, s13;
	[tilespmem:s22+$0x8800] =	vst v18;
	v14 =	vld.idx.msk [tilespmem:v14+s18+$0x0], $0xffff  }
0x51: {  	s25 =	sor.u32 s2, s11;
	v4 =	vor.u32 $0x180, v4;
	s22 =	sadd.s32 $0x10, s9;
	s6 =	sor.u32 $0x100, s4;
	v9 =	vor.u32 $0x80, v12;
	v1 =	vor.u32 $0x180, v5;
	v17 =	vld.idx.msk [tilespmem:v0+s18+$0x0], $0xffff;
	[tilespmem:s23+$0x8800] =	vst v7  }
0x52: {  	s2 =	sor.u32 $0x180, s26;
	s11 =	simm.s32 $0xC0;
	s1 =	sor.u32 $0x100, s22;
	v5 =	vor.u32 $0x100, v12;
	[tilespmem:s6+$0x8800] =	vst v21;
	v2 =	vor.u32 $0x180, v12;
	v10 =	vor.u32 $0x80, v23;
	v16 =	vld.idx.msk [tilespmem:v6+s18+$0x0], $0xffff  }
0x53: {  	s5 =	sor.u32 $0x180, s4;
	s4 =	sor.u32 $0x180, s9;
	v11 =	vor.u32 $0x180, v23;
	v12 =	vor.u32 $0x80, v20;
	[tilespmem:s28+$0x8800] =	vst v19;
	s28 =	simm.s32 $0x200;
	v19 =	vor.u32 $0x80, v0;
	v15 =	vld.idx.msk [tilespmem:v23+s18+$0x0], $0xffff  }
0x54: {  	s10 =	sor.u32 $0x180, s22;
	v8 =	vor.u32 $0x180, v20;
	s23 =	sor.u32 $0x100, s9;
	v7 =	vor.u32 $0x100, v20;
	[tilespmem:s25+$0x0] =	vst v22;
	v6 =	vor.u32 $0x100, v23;
	s22 =	sand.u32 $0x1E00, s28;
	v18 =	vld.idx.msk [tilespmem:v20+s18+$0x0], $0xffff  }
.LBB2_3:
0x55: {  	s26 =	sand.u32 $0x780, s11;
	v20 =	vld [tilespmem:s24+$0x0];
	s22 =	sadd.s32 $0x8800, s22;
	[tilespmem:s1+$0x8800] =	vst v13;
	s12 =	smov.u32 s5  }
0x56: {  	s1 =	sand.u32 $0x40, s11;
	s30 =	sadd.s32 $0x4, s30;
	s24 =	sor.u32 s31, s22;
	v13 =	vld.idx.msk [tilespmem:v9+s18+$0x0], $0xffff;
	[tilespmem:s29+$0x8800] =	vst v14  }
0x57: {  	s5 =	sor.u32 $0x180, s13;
	s31 =	sor.u32 $0x30, s1;
	p2 =	slt.u32 s30, $0x7C;
	[tilespmem:s24+$0x0] =	vst v17;
	v14 =	vld.idx.msk [tilespmem:v4+s18+$0x0], $0xffff;
	v4 =	vmov v11  }
0x58: {  	s13 =	sor.u32 $0x10, s1;
	s29 =	sor.u32 $0x20, s1;
	s6 =	sor.u32 s31, s26;
	v11 =	vld.idx.msk [tilespmem:v19+s18+$0x0], $0xffff;
	[tilespmem:s5+$0x8800] =	vst v16  }
0x59: {  	s5 =	sor.u32 s13, s26;
	s26 =	sor.u32 s29, s26;
	v16 =	vld [tilespmem:s6+$0x0];
	s6 =	sor.u32 s15, s22  }
0x5a: {  	s9 =	sor.u32 s0, s22;
	s22 =	sor.u32 s3, s22;
	s15 =	smov.u32 s1;
	v17 =	vld [tilespmem:s5+$0x0];
	v9 =	vand.u32 $0x7F, v20;
	v19 =	vshll.u32 v20, $0x2;
	v20 =	vor.u32 $0x100, v0  }
0x5b: {  	s0 =	smov.u32 s13;
	s3 =	smov.u32 s29;
	s5 =	smov.u32 s4;
	v21 =	vld [tilespmem:s26+$0x0];
	v19 =	vand.u32 $0xFFFFFE00, v19;
	[tilespmem:s9+$0x0] =	vst v15  }
0x5c: {  	v15 =	vor.u32 v9, v19;
	v10 =	vld.idx.msk [tilespmem:v10+s18+$0x0], $0xffff;
	[tilespmem:s22+$0x0] =	vst v18  }
0x5d: {  	v9 =	vor.u32 $0x80, v15;
	v18 =	vor.u32 $0x100, v15;
	v19 =	vor.u32 $0x180, v15;
	v12 =	vld.idx.msk [tilespmem:v12+s18+$0x0], $0xffff;
	[tilespmem:s25+$0x80] =	vst v13;
	s25 =	smov.u32 s6  }
0x5e: {  	p1 =	por !p1, !p1;
	s1 =	simm.s32 $0x1;
	v13 =	vshll.u32 v16, $0x2;
	[tilespmem:s24+$0x80] =	vst v11;
	v22 =	vld.idx.msk [tilespmem:v5+s18+$0x0], $0xffff;
	v5 =	vmov v18  }
0x5f: {  	s1 =	simm.s32 @!p1 $0x0;
	v16 =	vand.u32 $0x7F, v16;
	v11 =	vshll.u32 v17, $0x2;
	v13 =	vand.u32 $0xFFFFFE00, v13;
	v18 =	vld.idx.msk [tilespmem:v20+s18+$0x0], $0xffff;
	[tilespmem:s10+$0x8800] =	vst v14  }
0x60: {  	s1 =	sshll.u32 s1, $0x6;
	v11 =	vand.u32 $0xFFFFFE00, v11;
	v14 =	vshll.u32 v21, $0x2;
	v16 =	vor.u32 v16, v13;
	v20 =	vld.idx.msk [tilespmem:v3+s18+$0x0], $0xffff;
	v3 =	vmovc v8  }
0x61: {  	s4 =	sadd.s32 s1, s28;
	v8 =	vand.u32 $0x7F, v17;
	v13 =	vand.u32 $0xFFFFFE00, v14;
	v23 =	vld.idx.msk [tilespmem:v15+s18+$0x0], $0xffff;
	v15 =	vor.u32 $0x180, v0;
	v0 =	vmovc v16  }
0x62: {  	s6 =	sadd.s32 $0x10, s4;
	v24 =	vor.u32 v8, v11;
	v8 =	vand.u32 $0x7F, v21;
	[tilespmem:s9+$0x80] =	vst v10;
	v21 =	vld.idx.msk [tilespmem:v1+s18+$0x0], $0xffff;
	v1 =	vmovc v2;
	v2 =	vmov v19  }
0x63: {  	s13 =	sadd.s32 $0x30, s4;
	s1 =	sor.u32 $0x100, s6;
	v10 =	vor.u32 $0x80, v24;
	v25 =	vor.u32 v8, v13;
	s9 =	sadd.s32 $0x20, s4;
	v13 =	vld.idx.msk [tilespmem:v6+s18+$0x0], $0xffff;
	v6 =	vor.u32 $0x100, v24;
	[tilespmem:s22+$0x80] =	vst v12  }
.Ltmp0:
0x64: {  	v11 =	vor.u32 $0x180, v24;
	v12 =	vor.u32 $0x80, v25;
	s29 =	sor.u32 $0x100, s9;
	s22 =	sor.u32 $0x100, s13;
	v14 =	vld.idx.msk [tilespmem:v7+s18+$0x0], $0xffff;
	v7 =	vor.u32 $0x100, v25;
	[tilespmem:s23+$0x8800] =	vst v22;
	(pc) =	sbr.rel @p2 .LBB2_3-.Ltmp0, $4  }
0x65: {  	s10 =	sor.u32 $0x180, s6;
	v8 =	vor.u32 $0x180, v25;
	s6 =	sor.u32 $0x180, s9;
	s23 =	sor.u32 $0x100, s4;
	v17 =	vld.idx.msk [tilespmem:v16+s18+$0x0], $0xffff;
	[tilespmem:s22+$0x8800] =	vst v18  }
0x66: {  	s4 =	sor.u32 $0x180, s4;
	v16 =	vld.idx.msk [tilespmem:v15+s18+$0x0], $0xffff;
	[tilespmem:s2+$0x8800] =	vst v20;
	s2 =	smov.u32 s6  }
0x67: {  	s28 =	sadd.s32 $0x100, s28;
	v19 =	vor.u32 $0x80, v0;
	v15 =	vld.idx.msk [tilespmem:v24+s18+$0x0], $0xffff;
	[tilespmem:s25+$0x0] =	vst v23  }
0x68: {  	s11 =	sadd.s32 $0x40, s11;
	s24 =	sshra.s32 s28, $0x2;
	s22 =	sand.u32 $0x1E00, s28;
	v18 =	vld.idx.msk [tilespmem:v25+s18+$0x0], $0xffff;
	[tilespmem:s12+$0x8800] =	vst v21  }
0x69: {  	v20 =	vld [tilespmem:s24+$0x0];
	_ =	sdelay $0x4  }
0x6a: {  	v21 =	vshll.u32 v20, $0x2  }
0x6b: {  	v20 =	vand.u32 $0x7F, v20;
	v21 =	vand.u32 $0xFFFFFE00, v21  }
0x6c: {  	v20 =	vor.u32 v20, v21;
	_ =	sdelay $0x1  }
0x6d: {  	s6 =	sadd.s32 $0x8800, s22;
	[tilespmem:s1+$0x8800] =	vst v13  }
0x6e: {  	[tilespmem:s29+$0x8800] =	vst v14;
	v9 =	vld.idx.msk [tilespmem:v9+s18+$0x0], $0xffff;
	s26 =	sor.u32 s31, s6  }
0x6f: {  	s0 =	sor.u32 s0, s6;
	v4 =	vld.idx.msk [tilespmem:v4+s18+$0x0], $0xffff;
	[tilespmem:s26+$0x0] =	vst v17  }
0x70: {  	s3 =	sor.u32 s3, s6;
	[tilespmem:s0+$0x0] =	vst v15;
	v13 =	vld.idx.msk [tilespmem:v20+s18+$0x0], $0xffff  }
0x71: {  	s9 =	sor.u32 $0x180, s13;
	v10 =	vld.idx.msk [tilespmem:v10+s18+$0x0], $0xffff;
	[tilespmem:s3+$0x0] =	vst v18;
	v14 =	vor.u32 $0x80, v20  }
0x72: {  	[tilespmem:s9+$0x8800] =	vst v16;
	v12 =	vld.idx.msk [tilespmem:v12+s18+$0x0], $0xffff  }
0x73: {  	v17 =	vld.idx.msk [tilespmem:v19+s18+$0x0], $0xffff;
	[tilespmem:s25+$0x80] =	vst v9  }
0x74: {  	s6 =	sor.u32 s15, s6;
	v3 =	vld.idx.msk [tilespmem:v3+s18+$0x0], $0xffff;
	v15 =	vor.u32 $0x100, v0;
	[tilespmem:s10+$0x8800] =	vst v4  }
0x75: {  	v5 =	vld.idx.msk [tilespmem:v5+s18+$0x0], $0xffff;
	[tilespmem:s6+$0x0] =	vst v13  }
0x76: {  	p1 =	por !p1, !p1;
	s1 =	simm.s32 $0x1;
	[tilespmem:s0+$0x80] =	vst v10;
	v9 =	vld.idx.msk [tilespmem:v14+s18+$0x0], $0xffff  }
0x77: {  	s1 =	simm.s32 @!p1 $0x0;
	v6 =	vld.idx.msk [tilespmem:v6+s18+$0x0], $0xffff;
	[tilespmem:s3+$0x80] =	vst v12;
	v13 =	vor.u32 $0x100, v20  }
0x78: {  	s11 =	sshll.u32 s1, $0x6;
	[tilespmem:s26+$0x80] =	vst v17;
	v4 =	vld.idx.msk [tilespmem:v7+s18+$0x0], $0xffff  }
0x79: {  	[tilespmem:s2+$0x8800] =	vst v3;
	s0 =	sadd.s32 s11, s28;
	v14 =	vld.idx.msk [tilespmem:v15+s18+$0x0], $0xffff  }
0x7a: {  	v1 =	vld.idx.msk [tilespmem:v1+s18+$0x0], $0xffff;
	v0 =	vor.u32 $0x180, v0;
	s13 =	sadd.s32 $0x10, s0;
	[tilespmem:s23+$0x8800] =	vst v5  }
0x7b: {  	s22 =	sadd.s32 $0x20, s0;
	s23 =	sor.u32 $0x100, s13;
	v2 =	vld.idx.msk [tilespmem:v2+s18+$0x0], $0xffff;
	[tilespmem:s6+$0x80] =	vst v9  }
0x7c: {  	s12 =	sadd.s32 $0x30, s0;
	s24 =	sor.u32 $0x100, s22;
	[tilespmem:s23+$0x8800] =	vst v6;
	v5 =	vld.idx.msk [tilespmem:v13+s18+$0x0], $0xffff  }
0x7d: {  	s15 =	sor.u32 $0x100, s12;
	v7 =	vor.u32 $0x180, v20;
	[tilespmem:s24+$0x8800] =	vst v4;
	v4 =	vld.idx.msk [tilespmem:v11+s18+$0x0], $0xffff  }
0x7e: {  	v3 =	vld.idx.msk [tilespmem:v8+s18+$0x0], $0xffff;
	[tilespmem:s15+$0x8800] =	vst v14  }
0x7f: {  	[tilespmem:s5+$0x8800] =	vst v1;
	v0 =	vld.idx.msk [tilespmem:v0+s18+$0x0], $0xffff  }
0x80: {  	s25 =	sor.u32 $0x100, s0;
	[tilespmem:s4+$0x8800] =	vst v2  }
0x81: {  	s26 =	sor.u32 $0x180, s13;
	[tilespmem:s25+$0x8800] =	vst v5  }
0x82: {  	s3 =	sor.u32 $0x180, s22;
	[tilespmem:s26+$0x8800] =	vst v4;
	v1 =	vld.idx.msk [tilespmem:v7+s18+$0x0], $0xffff  }
0x83: {  	s1 =	sor.u32 $0x180, s12;
	[tilespmem:s3+$0x8800] =	vst v3  }
0x84: {  	[tilespmem:s1+$0x8800] =	vst v0  }
0x85: {  	s2 =	rddreg [dreg:$0x4]  }
0x86: {  	s5 =	rddreg [dreg:$0x2];
	s0 =	sor.u32 $0x180, s0;
	s7 =	sadd.s32 s2, s7  }
0x87: {  	s9 =	smin.u32 s14, $0xFB;
	s6 =	simm.s32 $0x8800;
	[tilespmem:s0+$0x8800] =	vst v1;
	s0 =	sadd.s32 s5, s7  }
0x88: {  	[hbm4b:s0+s16] =	stream.strided.scatter [tilespmem:s6], [sflag:$0x5], $0x2000, s17, s16, $0x38;
	[tilespmem:$0x10800] =	vst v63  }
0x89: {  	s0 =	sadd.s32 $0x4, s9  }
0x8a: {  	s10 =	sshll.u32 s0, $0xA;
	s0 =	sshll.u32 s0, $0x6  }
0x8b: {  	s11 =	rddreg [dreg:$0x0];
	s1 =	sadd.s32 s2, s10;
	s0 =	sand.u32 $0x40, s0  }
0x8c: {  	s1 =	sand.u32 $0xFFF800, s1;
	s0 =	sadd.s32 s11, s0  }
0x8d: {  	s12 =	simm.s32 $0x2;
	s0 =	sadd.s32 s1, s0  }
0x8e: {  	[tilespmem:s18], [sflag:$0x1] =	stream.strided.gather [hbm4b:s0+s16], $0x2000, s17, s16, $0x38;
	[tilespmem:$0x10800] =	vst v63  }
0x8f: {  	_ =	swait.ge [sflag:s12], $0x2000  }
0x90: {  	[sflag:s12] =	ssyncset.done $0x0  }
0x91: {  	s13 =	simm.s32 $0x0;
	s1 =	simm.s32 @!p0 $0x6;
	[sflag:s12] =	ssyncadd.s32 $0xFFFFE000  }
0x92: {  	s0 =	sand.u32 $0x40, s13;
	_ =	swait.ge @!p0 [sflag:s1], $0x2000  }
0x93: {  	s15 =	sand.u32 $0x780, s13;
	s22 =	sor.u32 $0x30, s0;
	[sflag:s1] =	ssyncset.done @!p0 $0x0  }
0x94: {  	s23 =	sor.u32 s22, s15;
	[sflag:s1] =	ssyncadd.s32 @!p0 $0xFFFFE000  }
0x95: {  	s24 =	sor.u32 $0x10, s0;
	v0 =	vld [tilespmem:s23+$0x0]  }
0x96: {  	s26 =	sor.u32 $0x20, s0;
	s25 =	sor.u32 s24, s15  }
0x97: {  	s3 =	sor.u32 s26, s15;
	v1 =	vld [tilespmem:s25+$0x0]  }
0x98: {  	v2 =	vld [tilespmem:s3+$0x0];
	_ =	sdelay $0x1  }
0x99: {  	v3 =	vshll.u32 v0, $0x2  }
0x9a: {  	v0 =	vand.u32 $0x7F, v0;
	v3 =	vand.u32 $0xFFFFFE00, v3  }
0x9b: {  	v0 =	vor.u32 v0, v3;
	v3 =	vshll.u32 v1, $0x2  }
0x9c: {  	v4 =	vshll.u32 v2, $0x2;
	v1 =	vand.u32 $0x7F, v1;
	v3 =	vand.u32 $0xFFFFFE00, v3  }
0x9d: {  	v2 =	vand.u32 $0x7F, v2;
	v1 =	vor.u32 v1, v3;
	v3 =	vand.u32 $0xFFFFFE00, v4  }
0x9e: {  	v2 =	vor.u32 v2, v3;
	_ =	sdelay $0x1  }
0x9f: {  	s2 =	sand.u32 $0x1E00, s13;
	s13 =	simm.s32 $0x40;
	s12 =	simm.s32 $0x0;
	v3 =	vld.idx.msk [tilespmem:v0+s19+$0x0], $0xffff  }
0xa0: {  	s11 =	sadd.s32 $0xA800, s2;
	s2 =	sand.u32 $0x40, s13;
	v6 =	vld [tilespmem:s12+$0x0];
	v4 =	vor.u32 $0x80, v0  }
0xa1: {  	s4 =	sor.u32 s22, s11;
	s15 =	sand.u32 $0x780, s13;
	s22 =	sor.u32 $0x30, s2;
	v5 =	vld.idx.msk [tilespmem:v1+s19+$0x0], $0xffff  }
0xa2: {  	s23 =	sor.u32 s22, s15;
	v7 =	vld.idx.msk [tilespmem:v2+s19+$0x0], $0xffff  }
0xa3: {  	v9 =	vld [tilespmem:s23+$0x0];
	v8 =	vor.u32 $0x80, v2  }
0xa4: {  	s10 =	sor.u32 $0x20, s2;
	[tilespmem:s4+$0x0] =	vst v3;
	v3 =	vor.u32 $0x80, v1  }
0xa5: {  	s5 =	sor.u32 $0x10, s2;
	s9 =	sor.u32 s10, s15;
	s1 =	sor.u32 s24, s11;
	v11 =	vshll.u32 v6, $0x2;
	v4 =	vld.idx.msk [tilespmem:v4+s19+$0x0], $0xffff  }
0xa6: {  	s6 =	sor.u32 s26, s11;
	s12 =	sor.u32 s5, s15;
	v13 =	vld [tilespmem:s9+$0x0];
	v6 =	vand.u32 $0x7F, v6;
	v11 =	vand.u32 $0xFFFFFE00, v11;
	v12 =	vor.u32 $0x100, v0;
	[tilespmem:s1+$0x0] =	vst v5  }
0xa7: {  	v10 =	vld [tilespmem:s12+$0x0];
	v5 =	vor.u32 v6, v11;
	[tilespmem:s6+$0x0] =	vst v7  }
0xa8: {  	v11 =	vshll.u32 v9, $0x2;
	v8 =	vld.idx.msk [tilespmem:v8+s19+$0x0], $0xffff  }
0xa9: {  	v9 =	vand.u32 $0x7F, v9;
	v7 =	vor.u32 $0x100, v2;
	v11 =	vand.u32 $0xFFFFFE00, v11;
	v3 =	vld.idx.msk [tilespmem:v3+s19+$0x0], $0xffff  }
0xaa: {  	p1 =	por $0x0, $0x0;
	v9 =	vor.u32 v9, v11;
	[tilespmem:s4+$0x80] =	vst v4;
	s4 =	simm.s32 $0x1  }
0xab: {  	v6 =	vor.u32 $0x100, v1;
	v12 =	vld.idx.msk [tilespmem:v12+s19+$0x0], $0xffff;
	s4 =	simm.s32 @!p1 $0x0  }
0xac: {  	v0 =	vor.u32 $0x180, v0;
	v4 =	vshll.u32 v10, $0x2;
	v14 =	vld.idx.msk [tilespmem:v5+s19+$0x0], $0xffff;
	s4 =	sshll.u32 s4, $0x6  }
0xad: {  	v11 =	vshll.u32 v13, $0x2;
	v10 =	vand.u32 $0x7F, v10;
	v4 =	vand.u32 $0xFFFFFE00, v4;
	s4 =	sadd.s32 $0x0, s4;
	[tilespmem:s6+$0x80] =	vst v8  }
0xae: {  	v11 =	vand.u32 $0xFFFFFE00, v11;
	v4 =	vor.u32 v10, v4;
	v10 =	vand.u32 $0x7F, v13;
	[tilespmem:s1+$0x80] =	vst v3;
	s1 =	sadd.s32 $0x30, s4;
	v7 =	vld.idx.msk [tilespmem:v7+s19+$0x0], $0xffff  }
0xaf: {  	v8 =	vor.u32 $0x80, v5;
	v3 =	vor.u32 v10, v11;
	v10 =	vld.idx.msk [tilespmem:v9+s19+$0x0], $0xffff;
	s24 =	sor.u32 $0x100, s1  }
0xb0: {  	s26 =	sor.u32 s0, s11;
	s12 =	simm.s32 $0x40;
	v6 =	vld.idx.msk [tilespmem:v6+s19+$0x0], $0xffff;
	[tilespmem:s24+$0xA800] =	vst v12  }
0xb1: {  	s13 =	simm.s32 $0x80;
	s25 =	simm.s32 $0x100;
	[tilespmem:s26+$0x0] =	vst v14;
	v14 =	vld [tilespmem:s12+$0x0]  }
0xb2: {  	s15 =	sand.u32 $0x40, s13;
	s11 =	sand.u32 $0x1E00, s25;
	v11 =	vld.idx.msk [tilespmem:v0+s19+$0x0], $0xffff  }
0xb3: {  	s31 =	sor.u32 $0x30, s15;
	s11 =	sadd.s32 $0xA800, s11;
	s12 =	sand.u32 $0x780, s13;
	v0 =	vor.u32 $0x80, v9;
	v12 =	vld.idx.msk [tilespmem:v4+s19+$0x0], $0xffff  }
0xb4: {  	v1 =	vor.u32 $0x180, v1;
	s6 =	sor.u32 s22, s11;
	s22 =	sor.u32 s31, s12;
	v8 =	vld.idx.msk [tilespmem:v8+s19+$0x0], $0xffff  }
0xb5: {  	s0 =	sor.u32 $0x10, s15;
	s13 =	sadd.s32 $0x10, s4;
	v16 =	vld [tilespmem:s22+$0x0]  }
0xb6: {  	s23 =	sor.u32 $0x100, s13;
	s24 =	sor.u32 s0, s12;
	v13 =	vld.idx.msk [tilespmem:v3+s19+$0x0], $0xffff;
	[tilespmem:s6+$0x0] =	vst v10;
	v10 =	vor.u32 $0x80, v4  }
0xb7: {  	v15 =	vor.u32 $0x80, v3;
	[tilespmem:s23+$0xA800] =	vst v6;
	v6 =	vld [tilespmem:s24+$0x0]  }
0xb8: {  	s3 =	sor.u32 $0x20, s15;
	v17 =	vor.u32 $0x100, v5;
	v0 =	vld.idx.msk [tilespmem:v0+s19+$0x0], $0xffff  }
0xb9: {  	s5 =	sor.u32 s5, s11;
	v19 =	vor.u32 $0x100, v9;
	s12 =	sor.u32 s3, s12;
	v18 =	vld.idx.msk [tilespmem:v1+s19+$0x0], $0xffff;
	v1 =	vshll.u32 v14, $0x2  }
0xba: {  	s10 =	sor.u32 s10, s11;
	v2 =	vor.u32 $0x180, v2;
	v20 =	vld [tilespmem:s12+$0x0];
	v14 =	vand.u32 $0x7F, v14;
	v1 =	vand.u32 $0xFFFFFE00, v1;
	[tilespmem:s5+$0x0] =	vst v12  }
0xbb: {  	v12 =	vor.u32 v14, v1;
	v1 =	vld.idx.msk [tilespmem:v10+s19+$0x0], $0xffff;
	[tilespmem:s10+$0x0] =	vst v13  }
0xbc: {  	s25 =	sadd.s32 $0x20, s4;
	v14 =	vor.u32 $0x100, v3;
	[tilespmem:s26+$0x80] =	vst v8;
	v8 =	vshll.u32 v16, $0x2;
	v10 =	vor.u32 $0x100, v4;
	v15 =	vld.idx.msk [tilespmem:v15+s19+$0x0], $0xffff  }
0xbd: {  	p1 =	por !p1, !p1;
	s26 =	sor.u32 $0x100, s25;
	v63 =	vld.idx.msk [tilespmem:v17+s19+$0x0], $0xffff;
	v13 =	vand.u32 $0x7F, v16;
	v8 =	vand.u32 $0xFFFFFE00, v8;
	[tilespmem:s6+$0x80] =	vst v0;
	v0 =	vshll.u32 v6, $0x2;
	s6 =	simm.s32 $0x1  }
0xbe: {  	s1 =	sor.u32 $0x180, s1;
	[tilespmem:s26+$0xA800] =	vst v7;
	v7 =	vld.idx.msk [tilespmem:v19+s19+$0x0], $0xffff;
	v16 =	vand.u32 $0xFFFFFE00, v0;
	v0 =	vor.u32 v13, v8;
	s6 =	simm.s32 @!p1 $0x0  }
0xbf: {  	[tilespmem:s1+$0xA800] =	vst v11;
	v8 =	vshll.u32 v20, $0x2;
	v19 =	vld.idx.msk [tilespmem:v2+s19+$0x0], $0xffff;
	v2 =	vand.u32 $0x7F, v6;
	v6 =	vor.u32 $0x180, v9;
	s22 =	sshll.u32 s6, $0x6  }
0xc0: {  	s30 =	simm.s32 $0x8;
	s28 =	simm.s32 $0x200;
	v22 =	vld.idx.msk [tilespmem:v12+s19+$0x0], $0xffff;
	v8 =	vand.u32 $0xFFFFFE00, v8;
	v23 =	vor.u32 v2, v16;
	v2 =	vand.u32 $0x7F, v20;
	[tilespmem:s5+$0x80] =	vst v1;
	s22 =	sadd.s32 $0x100, s22  }
0xc1: {  	s12 =	sor.u32 $0x180, s25;
	s26 =	sor.u32 $0x180, s13;
	v20 =	vor.u32 v2, v8;
	v13 =	vld.idx.msk [tilespmem:v10+s19+$0x0], $0xffff;
	[tilespmem:s10+$0x80] =	vst v15;
	s13 =	sadd.s32 $0x30, s22  }
0xc2: {  	s23 =	sor.u32 $0x100, s4;
	v3 =	vor.u32 $0x180, v3;
	s25 =	sor.u32 s2, s11;
	[tilespmem:s26+$0xA800] =	vst v18;
	v14 =	vld.idx.msk [tilespmem:v14+s19+$0x0], $0xffff;
	s24 =	sor.u32 $0x100, s13  }
0xc3: {  	s11 =	simm.s32 $0xC0;
	v4 =	vor.u32 $0x180, v4;
	v9 =	vor.u32 $0x80, v12;
	s5 =	sor.u32 $0x180, s4;
	v1 =	vor.u32 $0x180, v5;
	s10 =	sadd.s32 $0x10, s22;
	v17 =	vld.idx.msk [tilespmem:v0+s19+$0x0], $0xffff;
	[tilespmem:s24+$0xA800] =	vst v7  }
0xc4: {  	v5 =	vor.u32 $0x100, v12;
	[tilespmem:s23+$0xA800] =	vst v63;
	v2 =	vor.u32 $0x180, v12;
	v10 =	vor.u32 $0x80, v23;
	s26 =	sadd.s32 $0x20, s22;
	s23 =	sor.u32 $0x100, s22;
	s4 =	sor.u32 $0x180, s22;
	v16 =	vld.idx.msk [tilespmem:v6+s19+$0x0], $0xffff  }
0xc5: {  	v11 =	vor.u32 $0x180, v23;
	v12 =	vor.u32 $0x80, v20;
	s22 =	sand.u32 $0x1E00, s28;
	s1 =	sor.u32 $0x100, s10;
	s29 =	sor.u32 $0x100, s26;
	[tilespmem:s12+$0xA800] =	vst v19;
	v19 =	vor.u32 $0x80, v0;
	v15 =	vld.idx.msk [tilespmem:v23+s19+$0x0], $0xffff  }
0xc6: {  	v8 =	vor.u32 $0x180, v20;
	s10 =	sor.u32 $0x180, s10;
	s2 =	sor.u32 $0x180, s26;
	v7 =	vor.u32 $0x100, v20;
	[tilespmem:s25+$0x0] =	vst v22;
	s24 =	simm.s32 $0x80;
	v6 =	vor.u32 $0x100, v23;
	v18 =	vld.idx.msk [tilespmem:v20+s19+$0x0], $0xffff  }
.LBB2_5:
0xc7: {  	s6 =	sand.u32 $0x780, s11;
	v20 =	vld [tilespmem:s24+$0x0];
	s9 =	sadd.s32 $0xA800, s22;
	[tilespmem:s1+$0xA800] =	vst v13;
	s12 =	smov.u32 s5  }
0xc8: {  	s1 =	sand.u32 $0x40, s11;
	s30 =	sadd.s32 $0x4, s30;
	s22 =	sor.u32 s31, s9;
	v13 =	vld.idx.msk [tilespmem:v9+s19+$0x0], $0xffff;
	[tilespmem:s29+$0xA800] =	vst v14  }
0xc9: {  	s5 =	sor.u32 $0x180, s13;
	s31 =	sor.u32 $0x30, s1;
	p2 =	slt.u32 s30, $0x7C;
	[tilespmem:s22+$0x0] =	vst v17;
	v14 =	vld.idx.msk [tilespmem:v4+s19+$0x0], $0xffff;
	v4 =	vmov v11  }
0xca: {  	s13 =	sor.u32 $0x10, s1;
	s24 =	sor.u32 $0x20, s1;
	s26 =	sor.u32 s31, s6;
	v11 =	vld.idx.msk [tilespmem:v19+s19+$0x0], $0xffff;
	[tilespmem:s5+$0xA800] =	vst v16  }
0xcb: {  	s5 =	sor.u32 s13, s6;
	s6 =	sor.u32 s24, s6;
	v16 =	vld [tilespmem:s26+$0x0];
	s26 =	sor.u32 s15, s9  }
0xcc: {  	s29 =	sor.u32 s0, s9;
	s9 =	sor.u32 s3, s9;
	s15 =	smov.u32 s1;
	v17 =	vld [tilespmem:s5+$0x0];
	v9 =	vand.u32 $0x7F, v20;
	v19 =	vshll.u32 v20, $0x2;
	v20 =	vor.u32 $0x100, v0  }
0xcd: {  	s0 =	smov.u32 s13;
	s3 =	smov.u32 s24;
	s5 =	smov.u32 s4;
	v21 =	vld [tilespmem:s6+$0x0];
	v19 =	vand.u32 $0xFFFFFE00, v19;
	[tilespmem:s29+$0x0] =	vst v15  }
0xce: {  	v15 =	vor.u32 v9, v19;
	v10 =	vld.idx.msk [tilespmem:v10+s19+$0x0], $0xffff;
	[tilespmem:s9+$0x0] =	vst v18  }
0xcf: {  	v9 =	vor.u32 $0x80, v15;
	v18 =	vor.u32 $0x100, v15;
	v19 =	vor.u32 $0x180, v15;
	v12 =	vld.idx.msk [tilespmem:v12+s19+$0x0], $0xffff;
	[tilespmem:s25+$0x80] =	vst v13;
	s25 =	smov.u32 s26  }
0xd0: {  	p1 =	por !p1, !p1;
	s1 =	simm.s32 $0x1;
	v13 =	vshll.u32 v16, $0x2;
	[tilespmem:s22+$0x80] =	vst v11;
	v22 =	vld.idx.msk [tilespmem:v5+s19+$0x0], $0xffff;
	v5 =	vmov v18  }
0xd1: {  	s1 =	simm.s32 @!p1 $0x0;
	v16 =	vand.u32 $0x7F, v16;
	v11 =	vshll.u32 v17, $0x2;
	v13 =	vand.u32 $0xFFFFFE00, v13;
	v18 =	vld.idx.msk [tilespmem:v20+s19+$0x0], $0xffff;
	[tilespmem:s10+$0xA800] =	vst v14  }
0xd2: {  	s1 =	sshll.u32 s1, $0x6;
	v11 =	vand.u32 $0xFFFFFE00, v11;
	v14 =	vshll.u32 v21, $0x2;
	v16 =	vor.u32 v16, v13;
	v20 =	vld.idx.msk [tilespmem:v3+s19+$0x0], $0xffff;
	v3 =	vmovc v8  }
0xd3: {  	s4 =	sadd.s32 s1, s28;
	v8 =	vand.u32 $0x7F, v17;
	v13 =	vand.u32 $0xFFFFFE00, v14;
	v23 =	vld.idx.msk [tilespmem:v15+s19+$0x0], $0xffff;
	v15 =	vor.u32 $0x180, v0;
	v0 =	vmovc v16  }
0xd4: {  	s6 =	sadd.s32 $0x10, s4;
	v24 =	vor.u32 v8, v11;
	v8 =	vand.u32 $0x7F, v21;
	[tilespmem:s29+$0x80] =	vst v10;
	v21 =	vld.idx.msk [tilespmem:v1+s19+$0x0], $0xffff;
	v1 =	vmovc v2;
	v2 =	vmov v19  }
0xd5: {  	s13 =	sadd.s32 $0x30, s4;
	s1 =	sor.u32 $0x100, s6;
	v10 =	vor.u32 $0x80, v24;
	v25 =	vor.u32 v8, v13;
	v13 =	vld.idx.msk [tilespmem:v6+s19+$0x0], $0xffff;
	v6 =	vor.u32 $0x100, v24;
	[tilespmem:s9+$0x80] =	vst v12;
	s9 =	sadd.s32 $0x20, s4  }
.Ltmp1:
0xd6: {  	s22 =	sor.u32 $0x100, s13;
	v11 =	vor.u32 $0x180, v24;
	v12 =	vor.u32 $0x80, v25;
	v14 =	vld.idx.msk [tilespmem:v7+s19+$0x0], $0xffff;
	v7 =	vor.u32 $0x100, v25;
	s29 =	sor.u32 $0x100, s9;
	[tilespmem:s23+$0xA800] =	vst v22;
	(pc) =	sbr.rel @p2 .LBB2_5-.Ltmp1, $4  }
0xd7: {  	s10 =	sor.u32 $0x180, s6;
	v8 =	vor.u32 $0x180, v25;
	s23 =	sor.u32 $0x100, s4;
	s6 =	sor.u32 $0x180, s9;
	v17 =	vld.idx.msk [tilespmem:v16+s19+$0x0], $0xffff;
	[tilespmem:s22+$0xA800] =	vst v18  }
0xd8: {  	s4 =	sor.u32 $0x180, s4;
	v16 =	vld.idx.msk [tilespmem:v15+s19+$0x0], $0xffff;
	[tilespmem:s2+$0xA800] =	vst v20;
	s2 =	smov.u32 s6  }
0xd9: {  	s28 =	sadd.s32 $0x100, s28;
	v19 =	vor.u32 $0x80, v0;
	v15 =	vld.idx.msk [tilespmem:v24+s19+$0x0], $0xffff;
	[tilespmem:s25+$0x0] =	vst v23  }
0xda: {  	s11 =	sadd.s32 $0x40, s11;
	s24 =	sshra.s32 s28, $0x2;
	s22 =	sand.u32 $0x1E00, s28;
	v18 =	vld.idx.msk [tilespmem:v25+s19+$0x0], $0xffff;
	[tilespmem:s12+$0xA800] =	vst v21  }
0xdb: {  	v20 =	vld [tilespmem:s24+$0x0];
	_ =	sdelay $0x4  }
0xdc: {  	v21 =	vshll.u32 v20, $0x2  }
0xdd: {  	v20 =	vand.u32 $0x7F, v20;
	v21 =	vand.u32 $0xFFFFFE00, v21  }
0xde: {  	v20 =	vor.u32 v20, v21;
	_ =	sdelay $0x3  }
0xdf: {  	s6 =	sadd.s32 $0xA800, s22;
	[tilespmem:s1+$0xA800] =	vst v13  }
0xe0: {  	[tilespmem:s29+$0xA800] =	vst v14;
	s11 =	sor.u32 s31, s6;
	v13 =	vld.idx.msk [tilespmem:v20+s19+$0x0], $0xffff  }
0xe1: {  	v9 =	vld.idx.msk [tilespmem:v9+s19+$0x0], $0xffff;
	s0 =	sor.u32 s0, s6;
	[tilespmem:s11+$0x0] =	vst v17;
	v14 =	vor.u32 $0x80, v20  }
0xe2: {  	s3 =	sor.u32 s3, s6;
	v4 =	vld.idx.msk [tilespmem:v4+s19+$0x0], $0xffff;
	[tilespmem:s0+$0x0] =	vst v15  }
0xe3: {  	s9 =	sor.u32 $0x180, s13;
	v10 =	vld.idx.msk [tilespmem:v10+s19+$0x0], $0xffff;
	[tilespmem:s3+$0x0] =	vst v18  }
0xe4: {  	s6 =	sor.u32 s15, s6;
	[tilespmem:s9+$0xA800] =	vst v16;
	v12 =	vld.idx.msk [tilespmem:v12+s19+$0x0], $0xffff  }
0xe5: {  	v17 =	vld.idx.msk [tilespmem:v19+s19+$0x0], $0xffff;
	[tilespmem:s6+$0x0] =	vst v13  }
0xe6: {  	v15 =	vor.u32 $0x100, v0;
	[tilespmem:s25+$0x80] =	vst v9;
	v9 =	vld.idx.msk [tilespmem:v14+s19+$0x0], $0xffff  }
0xe7: {  	v5 =	vld.idx.msk [tilespmem:v5+s19+$0x0], $0xffff;
	[tilespmem:s10+$0xA800] =	vst v4;
	v13 =	vor.u32 $0x100, v20  }
0xe8: {  	p1 =	por !p1, !p1;
	s1 =	simm.s32 $0x1;
	v3 =	vld.idx.msk [tilespmem:v3+s19+$0x0], $0xffff;
	[tilespmem:s0+$0x80] =	vst v10  }
0xe9: {  	s1 =	simm.s32 @!p1 $0x0;
	v6 =	vld.idx.msk [tilespmem:v6+s19+$0x0], $0xffff;
	[tilespmem:s3+$0x80] =	vst v12  }
0xea: {  	s12 =	sshll.u32 s1, $0x6;
	[tilespmem:s11+$0x80] =	vst v17;
	v4 =	vld.idx.msk [tilespmem:v7+s19+$0x0], $0xffff  }
0xeb: {  	s0 =	sadd.s32 s12, s28;
	v14 =	vld.idx.msk [tilespmem:v15+s19+$0x0], $0xffff;
	[tilespmem:s6+$0x80] =	vst v9  }
0xec: {  	v0 =	vor.u32 $0x180, v0;
	s15 =	sadd.s32 $0x10, s0;
	[tilespmem:s23+$0xA800] =	vst v5;
	v5 =	vld.idx.msk [tilespmem:v13+s19+$0x0], $0xffff  }
0xed: {  	v1 =	vld.idx.msk [tilespmem:v1+s19+$0x0], $0xffff;
	[tilespmem:s2+$0xA800] =	vst v3;
	v7 =	vor.u32 $0x180, v20;
	s23 =	sadd.s32 $0x20, s0;
	s24 =	sor.u32 $0x100, s15  }
0xee: {  	s13 =	sadd.s32 $0x30, s0;
	s25 =	sor.u32 $0x100, s23;
	v2 =	vld.idx.msk [tilespmem:v2+s19+$0x0], $0xffff;
	[tilespmem:s24+$0xA800] =	vst v6  }
0xef: {  	s22 =	sor.u32 $0x100, s13;
	[tilespmem:s25+$0xA800] =	vst v4;
	v4 =	vld.idx.msk [tilespmem:v11+s19+$0x0], $0xffff  }
0xf0: {  	s26 =	sor.u32 $0x100, s0;
	v3 =	vld.idx.msk [tilespmem:v8+s19+$0x0], $0xffff;
	[tilespmem:s22+$0xA800] =	vst v14  }
0xf1: {  	v0 =	vld.idx.msk [tilespmem:v0+s19+$0x0], $0xffff;
	[tilespmem:s26+$0xA800] =	vst v5  }
0xf2: {  	[tilespmem:s5+$0xA800] =	vst v1;
	v1 =	vld.idx.msk [tilespmem:v7+s19+$0x0], $0xffff  }
0xf3: {  	s5 =	sor.u32 $0x180, s15;
	[tilespmem:s4+$0xA800] =	vst v2  }
0xf4: {  	[tilespmem:s5+$0xA800] =	vst v4;
	s6 =	sor.u32 $0x180, s23  }
0xf5: {  	s1 =	sor.u32 $0x180, s13;
	[tilespmem:s6+$0xA800] =	vst v3  }
0xf6: {  	s0 =	sor.u32 $0x180, s0;
	[tilespmem:s1+$0xA800] =	vst v0  }
0xf7: {  	[tilespmem:s0+$0xA800] =	vst v1  }
0xf8: {  	s0 =	rddreg [dreg:$0x9]  }
0xf9: {  	s9 =	simm.s32 $0xA800;
	s10 =	smin.u32 s14, $0xFA;
	s0 =	sadd.s32 s7, s0  }
0xfa: {  	[hbm4b:s0+s16] =	stream.strided.scatter [tilespmem:s9], [sflag:$0x6], $0x2000, s17, s16, $0x38;
	[tilespmem:$0x10800] =	vst v63  }
0xfb: {  	s11 =	rddreg [dreg:$0xa];
	s0 =	sshll.u32 s10, $0xA  }
0xfc: {  	s12 =	simm.s32 $0x3;
	s0 =	sadd.s32 s0, s11  }
0xfd: {  	[tilespmem:s19], [sflag:$0x2] =	stream.strided.gather [hbm4b:s0+s16], $0x2000, s17, s16, $0x38;
	[tilespmem:$0x10800] =	vst v63  }
0xfe: {  	_ =	swait.ge [sflag:s12], $0x2000  }
0xff: {  	[sflag:s12] =	ssyncset.done $0x0  }
0x100: {  	s13 =	simm.s32 $0x0;
	s1 =	simm.s32 @!p0 $0x7;
	[sflag:s12] =	ssyncadd.s32 $0xFFFFE000  }
0x101: {  	s0 =	sand.u32 $0x40, s13;
	_ =	swait.ge @!p0 [sflag:s1], $0x2000  }
0x102: {  	s15 =	sand.u32 $0x780, s13;
	s22 =	sor.u32 $0x30, s0;
	[sflag:s1] =	ssyncset.done @!p0 $0x0  }
0x103: {  	s23 =	sor.u32 s22, s15;
	[sflag:s1] =	ssyncadd.s32 @!p0 $0xFFFFE000  }
0x104: {  	s24 =	sor.u32 $0x10, s0;
	v0 =	vld [tilespmem:s23+$0x0]  }
0x105: {  	s26 =	sor.u32 $0x20, s0;
	s25 =	sor.u32 s24, s15  }
0x106: {  	s3 =	sor.u32 s26, s15;
	v1 =	vld [tilespmem:s25+$0x0]  }
0x107: {  	v2 =	vld [tilespmem:s3+$0x0];
	_ =	sdelay $0x1  }
0x108: {  	v3 =	vshll.u32 v0, $0x2  }
0x109: {  	v0 =	vand.u32 $0x7F, v0;
	v3 =	vand.u32 $0xFFFFFE00, v3  }
0x10a: {  	v0 =	vor.u32 v0, v3;
	v3 =	vshll.u32 v1, $0x2  }
0x10b: {  	v4 =	vshll.u32 v2, $0x2;
	v1 =	vand.u32 $0x7F, v1;
	v3 =	vand.u32 $0xFFFFFE00, v3  }
0x10c: {  	v2 =	vand.u32 $0x7F, v2;
	v1 =	vor.u32 v1, v3;
	v3 =	vand.u32 $0xFFFFFE00, v4  }
0x10d: {  	v2 =	vor.u32 v2, v3;
	_ =	sdelay $0x1  }
0x10e: {  	s2 =	sand.u32 $0x1E00, s13;
	s13 =	simm.s32 $0x40;
	s12 =	simm.s32 $0x0;
	v3 =	vld.idx.msk [tilespmem:v0+s20+$0x0], $0xffff  }
0x10f: {  	s11 =	sadd.s32 $0xC800, s2;
	s2 =	sand.u32 $0x40, s13;
	v6 =	vld [tilespmem:s12+$0x0];
	v4 =	vor.u32 $0x80, v0  }
0x110: {  	s4 =	sor.u32 s22, s11;
	s15 =	sand.u32 $0x780, s13;
	s22 =	sor.u32 $0x30, s2;
	v5 =	vld.idx.msk [tilespmem:v1+s20+$0x0], $0xffff  }
0x111: {  	s23 =	sor.u32 s22, s15;
	v7 =	vld.idx.msk [tilespmem:v2+s20+$0x0], $0xffff  }
0x112: {  	v9 =	vld [tilespmem:s23+$0x0];
	v8 =	vor.u32 $0x80, v2  }
0x113: {  	s10 =	sor.u32 $0x20, s2;
	[tilespmem:s4+$0x0] =	vst v3;
	v3 =	vor.u32 $0x80, v1  }
0x114: {  	s5 =	sor.u32 $0x10, s2;
	s9 =	sor.u32 s10, s15;
	s1 =	sor.u32 s24, s11;
	v11 =	vshll.u32 v6, $0x2;
	v4 =	vld.idx.msk [tilespmem:v4+s20+$0x0], $0xffff  }
0x115: {  	s6 =	sor.u32 s26, s11;
	s12 =	sor.u32 s5, s15;
	v13 =	vld [tilespmem:s9+$0x0];
	v6 =	vand.u32 $0x7F, v6;
	v11 =	vand.u32 $0xFFFFFE00, v11;
	v12 =	vor.u32 $0x100, v0;
	[tilespmem:s1+$0x0] =	vst v5  }
0x116: {  	v10 =	vld [tilespmem:s12+$0x0];
	v5 =	vor.u32 v6, v11;
	[tilespmem:s6+$0x0] =	vst v7  }
0x117: {  	v11 =	vshll.u32 v9, $0x2;
	v8 =	vld.idx.msk [tilespmem:v8+s20+$0x0], $0xffff  }
0x118: {  	v9 =	vand.u32 $0x7F, v9;
	v7 =	vor.u32 $0x100, v2;
	v11 =	vand.u32 $0xFFFFFE00, v11;
	v3 =	vld.idx.msk [tilespmem:v3+s20+$0x0], $0xffff  }
0x119: {  	p1 =	por $0x0, $0x0;
	v9 =	vor.u32 v9, v11;
	[tilespmem:s4+$0x80] =	vst v4;
	s4 =	simm.s32 $0x1  }
0x11a: {  	v6 =	vor.u32 $0x100, v1;
	v12 =	vld.idx.msk [tilespmem:v12+s20+$0x0], $0xffff;
	s4 =	simm.s32 @!p1 $0x0  }
0x11b: {  	v0 =	vor.u32 $0x180, v0;
	v4 =	vshll.u32 v10, $0x2;
	v14 =	vld.idx.msk [tilespmem:v5+s20+$0x0], $0xffff;
	s4 =	sshll.u32 s4, $0x6  }
0x11c: {  	v11 =	vshll.u32 v13, $0x2;
	v10 =	vand.u32 $0x7F, v10;
	v4 =	vand.u32 $0xFFFFFE00, v4;
	s4 =	sadd.s32 $0x0, s4;
	[tilespmem:s6+$0x80] =	vst v8  }
0x11d: {  	v11 =	vand.u32 $0xFFFFFE00, v11;
	v4 =	vor.u32 v10, v4;
	v10 =	vand.u32 $0x7F, v13;
	[tilespmem:s1+$0x80] =	vst v3;
	s1 =	sadd.s32 $0x30, s4;
	v7 =	vld.idx.msk [tilespmem:v7+s20+$0x0], $0xffff  }
0x11e: {  	v8 =	vor.u32 $0x80, v5;
	v3 =	vor.u32 v10, v11;
	v10 =	vld.idx.msk [tilespmem:v9+s20+$0x0], $0xffff;
	s24 =	sor.u32 $0x100, s1  }
0x11f: {  	s26 =	sor.u32 s0, s11;
	s12 =	simm.s32 $0x40;
	v6 =	vld.idx.msk [tilespmem:v6+s20+$0x0], $0xffff;
	[tilespmem:s24+$0xC800] =	vst v12  }
0x120: {  	s13 =	simm.s32 $0x80;
	s25 =	simm.s32 $0x100;
	[tilespmem:s26+$0x0] =	vst v14;
	v14 =	vld [tilespmem:s12+$0x0]  }
0x121: {  	s15 =	sand.u32 $0x40, s13;
	s11 =	sand.u32 $0x1E00, s25;
	v11 =	vld.idx.msk [tilespmem:v0+s20+$0x0], $0xffff  }
0x122: {  	s31 =	sor.u32 $0x30, s15;
	s11 =	sadd.s32 $0xC800, s11;
	s12 =	sand.u32 $0x780, s13;
	v0 =	vor.u32 $0x80, v9;
	v12 =	vld.idx.msk [tilespmem:v4+s20+$0x0], $0xffff  }
0x123: {  	v1 =	vor.u32 $0x180, v1;
	s6 =	sor.u32 s22, s11;
	s22 =	sor.u32 s31, s12;
	v8 =	vld.idx.msk [tilespmem:v8+s20+$0x0], $0xffff  }
0x124: {  	s0 =	sor.u32 $0x10, s15;
	s13 =	sadd.s32 $0x10, s4;
	v16 =	vld [tilespmem:s22+$0x0]  }
0x125: {  	s23 =	sor.u32 $0x100, s13;
	s24 =	sor.u32 s0, s12;
	v13 =	vld.idx.msk [tilespmem:v3+s20+$0x0], $0xffff;
	[tilespmem:s6+$0x0] =	vst v10;
	v10 =	vor.u32 $0x80, v4  }
0x126: {  	v15 =	vor.u32 $0x80, v3;
	[tilespmem:s23+$0xC800] =	vst v6;
	v6 =	vld [tilespmem:s24+$0x0]  }
0x127: {  	s3 =	sor.u32 $0x20, s15;
	v17 =	vor.u32 $0x100, v5;
	v0 =	vld.idx.msk [tilespmem:v0+s20+$0x0], $0xffff  }
0x128: {  	s5 =	sor.u32 s5, s11;
	v19 =	vor.u32 $0x100, v9;
	s12 =	sor.u32 s3, s12;
	v18 =	vld.idx.msk [tilespmem:v1+s20+$0x0], $0xffff;
	v1 =	vshll.u32 v14, $0x2  }
0x129: {  	s10 =	sor.u32 s10, s11;
	v2 =	vor.u32 $0x180, v2;
	v20 =	vld [tilespmem:s12+$0x0];
	v14 =	vand.u32 $0x7F, v14;
	v1 =	vand.u32 $0xFFFFFE00, v1;
	[tilespmem:s5+$0x0] =	vst v12  }
0x12a: {  	v12 =	vor.u32 v14, v1;
	v1 =	vld.idx.msk [tilespmem:v10+s20+$0x0], $0xffff;
	[tilespmem:s10+$0x0] =	vst v13  }
0x12b: {  	s25 =	sadd.s32 $0x20, s4;
	v14 =	vor.u32 $0x100, v3;
	[tilespmem:s26+$0x80] =	vst v8;
	v8 =	vshll.u32 v16, $0x2;
	v10 =	vor.u32 $0x100, v4;
	v15 =	vld.idx.msk [tilespmem:v15+s20+$0x0], $0xffff  }
0x12c: {  	p1 =	por !p1, !p1;
	s26 =	sor.u32 $0x100, s25;
	v63 =	vld.idx.msk [tilespmem:v17+s20+$0x0], $0xffff;
	v13 =	vand.u32 $0x7F, v16;
	v8 =	vand.u32 $0xFFFFFE00, v8;
	[tilespmem:s6+$0x80] =	vst v0;
	v0 =	vshll.u32 v6, $0x2;
	s6 =	simm.s32 $0x1  }
0x12d: {  	s1 =	sor.u32 $0x180, s1;
	[tilespmem:s26+$0xC800] =	vst v7;
	v7 =	vld.idx.msk [tilespmem:v19+s20+$0x0], $0xffff;
	v16 =	vand.u32 $0xFFFFFE00, v0;
	v0 =	vor.u32 v13, v8;
	s6 =	simm.s32 @!p1 $0x0  }
0x12e: {  	[tilespmem:s1+$0xC800] =	vst v11;
	v8 =	vshll.u32 v20, $0x2;
	v19 =	vld.idx.msk [tilespmem:v2+s20+$0x0], $0xffff;
	v2 =	vand.u32 $0x7F, v6;
	v6 =	vor.u32 $0x180, v9;
	s22 =	sshll.u32 s6, $0x6  }
0x12f: {  	s30 =	simm.s32 $0x8;
	s28 =	simm.s32 $0x200;
	v22 =	vld.idx.msk [tilespmem:v12+s20+$0x0], $0xffff;
	v8 =	vand.u32 $0xFFFFFE00, v8;
	v23 =	vor.u32 v2, v16;
	v2 =	vand.u32 $0x7F, v20;
	[tilespmem:s5+$0x80] =	vst v1;
	s22 =	sadd.s32 $0x100, s22  }
0x130: {  	s12 =	sor.u32 $0x180, s25;
	s26 =	sor.u32 $0x180, s13;
	v20 =	vor.u32 v2, v8;
	v13 =	vld.idx.msk [tilespmem:v10+s20+$0x0], $0xffff;
	[tilespmem:s10+$0x80] =	vst v15;
	s13 =	sadd.s32 $0x30, s22  }
0x131: {  	s23 =	sor.u32 $0x100, s4;
	v3 =	vor.u32 $0x180, v3;
	s25 =	sor.u32 s2, s11;
	[tilespmem:s26+$0xC800] =	vst v18;
	v14 =	vld.idx.msk [tilespmem:v14+s20+$0x0], $0xffff;
	s24 =	sor.u32 $0x100, s13  }
0x132: {  	s11 =	simm.s32 $0xC0;
	v4 =	vor.u32 $0x180, v4;
	v9 =	vor.u32 $0x80, v12;
	s5 =	sor.u32 $0x180, s4;
	v1 =	vor.u32 $0x180, v5;
	s10 =	sadd.s32 $0x10, s22;
	v17 =	vld.idx.msk [tilespmem:v0+s20+$0x0], $0xffff;
	[tilespmem:s24+$0xC800] =	vst v7  }
0x133: {  	v5 =	vor.u32 $0x100, v12;
	[tilespmem:s23+$0xC800] =	vst v63;
	v2 =	vor.u32 $0x180, v12;
	v10 =	vor.u32 $0x80, v23;
	s26 =	sadd.s32 $0x20, s22;
	s23 =	sor.u32 $0x100, s22;
	s4 =	sor.u32 $0x180, s22;
	v16 =	vld.idx.msk [tilespmem:v6+s20+$0x0], $0xffff  }
0x134: {  	v11 =	vor.u32 $0x180, v23;
	v12 =	vor.u32 $0x80, v20;
	s22 =	sand.u32 $0x1E00, s28;
	s1 =	sor.u32 $0x100, s10;
	s29 =	sor.u32 $0x100, s26;
	[tilespmem:s12+$0xC800] =	vst v19;
	v19 =	vor.u32 $0x80, v0;
	v15 =	vld.idx.msk [tilespmem:v23+s20+$0x0], $0xffff  }
0x135: {  	v8 =	vor.u32 $0x180, v20;
	s10 =	sor.u32 $0x180, s10;
	s2 =	sor.u32 $0x180, s26;
	v7 =	vor.u32 $0x100, v20;
	[tilespmem:s25+$0x0] =	vst v22;
	s24 =	simm.s32 $0x80;
	v6 =	vor.u32 $0x100, v23;
	v18 =	vld.idx.msk [tilespmem:v20+s20+$0x0], $0xffff  }
.LBB2_7:
0x136: {  	s6 =	sand.u32 $0x780, s11;
	v20 =	vld [tilespmem:s24+$0x0];
	s9 =	sadd.s32 $0xC800, s22;
	[tilespmem:s1+$0xC800] =	vst v13;
	s12 =	smov.u32 s5  }
0x137: {  	s1 =	sand.u32 $0x40, s11;
	s30 =	sadd.s32 $0x4, s30;
	s22 =	sor.u32 s31, s9;
	v13 =	vld.idx.msk [tilespmem:v9+s20+$0x0], $0xffff;
	[tilespmem:s29+$0xC800] =	vst v14  }
0x138: {  	s5 =	sor.u32 $0x180, s13;
	s31 =	sor.u32 $0x30, s1;
	p2 =	slt.u32 s30, $0x7C;
	[tilespmem:s22+$0x0] =	vst v17;
	v14 =	vld.idx.msk [tilespmem:v4+s20+$0x0], $0xffff;
	v4 =	vmov v11  }
0x139: {  	s13 =	sor.u32 $0x10, s1;
	s24 =	sor.u32 $0x20, s1;
	s26 =	sor.u32 s31, s6;
	v11 =	vld.idx.msk [tilespmem:v19+s20+$0x0], $0xffff;
	[tilespmem:s5+$0xC800] =	vst v16  }
0x13a: {  	s5 =	sor.u32 s13, s6;
	s6 =	sor.u32 s24, s6;
	v16 =	vld [tilespmem:s26+$0x0];
	s26 =	sor.u32 s15, s9  }
0x13b: {  	s29 =	sor.u32 s0, s9;
	s9 =	sor.u32 s3, s9;
	s15 =	smov.u32 s1;
	v17 =	vld [tilespmem:s5+$0x0];
	v9 =	vand.u32 $0x7F, v20;
	v19 =	vshll.u32 v20, $0x2;
	v20 =	vor.u32 $0x100, v0  }
0x13c: {  	s0 =	smov.u32 s13;
	s3 =	smov.u32 s24;
	s5 =	smov.u32 s4;
	v21 =	vld [tilespmem:s6+$0x0];
	v19 =	vand.u32 $0xFFFFFE00, v19;
	[tilespmem:s29+$0x0] =	vst v15  }
0x13d: {  	v15 =	vor.u32 v9, v19;
	v10 =	vld.idx.msk [tilespmem:v10+s20+$0x0], $0xffff;
	[tilespmem:s9+$0x0] =	vst v18  }
0x13e: {  	v9 =	vor.u32 $0x80, v15;
	v18 =	vor.u32 $0x100, v15;
	v19 =	vor.u32 $0x180, v15;
	v12 =	vld.idx.msk [tilespmem:v12+s20+$0x0], $0xffff;
	[tilespmem:s25+$0x80] =	vst v13;
	s25 =	smov.u32 s26  }
0x13f: {  	p1 =	por !p1, !p1;
	s1 =	simm.s32 $0x1;
	v13 =	vshll.u32 v16, $0x2;
	[tilespmem:s22+$0x80] =	vst v11;
	v22 =	vld.idx.msk [tilespmem:v5+s20+$0x0], $0xffff;
	v5 =	vmov v18  }
0x140: {  	s1 =	simm.s32 @!p1 $0x0;
	v16 =	vand.u32 $0x7F, v16;
	v11 =	vshll.u32 v17, $0x2;
	v13 =	vand.u32 $0xFFFFFE00, v13;
	v18 =	vld.idx.msk [tilespmem:v20+s20+$0x0], $0xffff;
	[tilespmem:s10+$0xC800] =	vst v14  }
0x141: {  	s1 =	sshll.u32 s1, $0x6;
	v11 =	vand.u32 $0xFFFFFE00, v11;
	v14 =	vshll.u32 v21, $0x2;
	v16 =	vor.u32 v16, v13;
	v20 =	vld.idx.msk [tilespmem:v3+s20+$0x0], $0xffff;
	v3 =	vmovc v8  }
0x142: {  	s4 =	sadd.s32 s1, s28;
	v8 =	vand.u32 $0x7F, v17;
	v13 =	vand.u32 $0xFFFFFE00, v14;
	v23 =	vld.idx.msk [tilespmem:v15+s20+$0x0], $0xffff;
	v15 =	vor.u32 $0x180, v0;
	v0 =	vmovc v16  }
0x143: {  	s6 =	sadd.s32 $0x10, s4;
	v24 =	vor.u32 v8, v11;
	v8 =	vand.u32 $0x7F, v21;
	[tilespmem:s29+$0x80] =	vst v10;
	v21 =	vld.idx.msk [tilespmem:v1+s20+$0x0], $0xffff;
	v1 =	vmovc v2;
	v2 =	vmov v19  }
0x144: {  	s13 =	sadd.s32 $0x30, s4;
	s1 =	sor.u32 $0x100, s6;
	v10 =	vor.u32 $0x80, v24;
	v25 =	vor.u32 v8, v13;
	v13 =	vld.idx.msk [tilespmem:v6+s20+$0x0], $0xffff;
	v6 =	vor.u32 $0x100, v24;
	[tilespmem:s9+$0x80] =	vst v12;
	s9 =	sadd.s32 $0x20, s4  }
.Ltmp2:
0x145: {  	s22 =	sor.u32 $0x100, s13;
	v11 =	vor.u32 $0x180, v24;
	v12 =	vor.u32 $0x80, v25;
	v14 =	vld.idx.msk [tilespmem:v7+s20+$0x0], $0xffff;
	v7 =	vor.u32 $0x100, v25;
	s29 =	sor.u32 $0x100, s9;
	[tilespmem:s23+$0xC800] =	vst v22;
	(pc) =	sbr.rel @p2 .LBB2_7-.Ltmp2, $4  }
0x146: {  	s10 =	sor.u32 $0x180, s6;
	v8 =	vor.u32 $0x180, v25;
	s23 =	sor.u32 $0x100, s4;
	s6 =	sor.u32 $0x180, s9;
	v17 =	vld.idx.msk [tilespmem:v16+s20+$0x0], $0xffff;
	[tilespmem:s22+$0xC800] =	vst v18  }
0x147: {  	s4 =	sor.u32 $0x180, s4;
	v16 =	vld.idx.msk [tilespmem:v15+s20+$0x0], $0xffff;
	[tilespmem:s2+$0xC800] =	vst v20;
	s2 =	smov.u32 s6  }
0x148: {  	s28 =	sadd.s32 $0x100, s28;
	v19 =	vor.u32 $0x80, v0;
	v15 =	vld.idx.msk [tilespmem:v24+s20+$0x0], $0xffff;
	[tilespmem:s25+$0x0] =	vst v23  }
0x149: {  	s11 =	sadd.s32 $0x40, s11;
	s24 =	sshra.s32 s28, $0x2;
	s22 =	sand.u32 $0x1E00, s28;
	v18 =	vld.idx.msk [tilespmem:v25+s20+$0x0], $0xffff;
	[tilespmem:s12+$0xC800] =	vst v21  }
0x14a: {  	v20 =	vld [tilespmem:s24+$0x0];
	_ =	sdelay $0x4  }
0x14b: {  	v21 =	vshll.u32 v20, $0x2  }
0x14c: {  	v20 =	vand.u32 $0x7F, v20;
	v21 =	vand.u32 $0xFFFFFE00, v21  }
0x14d: {  	v20 =	vor.u32 v20, v21;
	_ =	sdelay $0x3  }
0x14e: {  	s6 =	sadd.s32 $0xC800, s22;
	[tilespmem:s1+$0xC800] =	vst v13  }
0x14f: {  	[tilespmem:s29+$0xC800] =	vst v14;
	s12 =	sor.u32 s31, s6;
	v13 =	vld.idx.msk [tilespmem:v20+s20+$0x0], $0xffff  }
0x150: {  	v9 =	vld.idx.msk [tilespmem:v9+s20+$0x0], $0xffff;
	s0 =	sor.u32 s0, s6;
	[tilespmem:s12+$0x0] =	vst v17;
	v14 =	vor.u32 $0x80, v20  }
0x151: {  	s3 =	sor.u32 s3, s6;
	v4 =	vld.idx.msk [tilespmem:v4+s20+$0x0], $0xffff;
	[tilespmem:s0+$0x0] =	vst v15  }
0x152: {  	s9 =	sor.u32 $0x180, s13;
	v10 =	vld.idx.msk [tilespmem:v10+s20+$0x0], $0xffff;
	[tilespmem:s3+$0x0] =	vst v18  }
0x153: {  	s6 =	sor.u32 s15, s6;
	[tilespmem:s9+$0xC800] =	vst v16;
	v12 =	vld.idx.msk [tilespmem:v12+s20+$0x0], $0xffff  }
0x154: {  	v17 =	vld.idx.msk [tilespmem:v19+s20+$0x0], $0xffff;
	[tilespmem:s6+$0x0] =	vst v13  }
0x155: {  	v15 =	vor.u32 $0x100, v0;
	[tilespmem:s25+$0x80] =	vst v9;
	v9 =	vld.idx.msk [tilespmem:v14+s20+$0x0], $0xffff  }
0x156: {  	v5 =	vld.idx.msk [tilespmem:v5+s20+$0x0], $0xffff;
	[tilespmem:s10+$0xC800] =	vst v4;
	v13 =	vor.u32 $0x100, v20  }
0x157: {  	p1 =	por !p1, !p1;
	s1 =	simm.s32 $0x1;
	v3 =	vld.idx.msk [tilespmem:v3+s20+$0x0], $0xffff;
	[tilespmem:s0+$0x80] =	vst v10  }
0x158: {  	s1 =	simm.s32 @!p1 $0x0;
	v6 =	vld.idx.msk [tilespmem:v6+s20+$0x0], $0xffff;
	[tilespmem:s3+$0x80] =	vst v12  }
0x159: {  	s15 =	sshll.u32 s1, $0x6;
	[tilespmem:s12+$0x80] =	vst v17;
	v4 =	vld.idx.msk [tilespmem:v7+s20+$0x0], $0xffff  }
0x15a: {  	s0 =	sadd.s32 s15, s28;
	v14 =	vld.idx.msk [tilespmem:v15+s20+$0x0], $0xffff;
	[tilespmem:s6+$0x80] =	vst v9  }
0x15b: {  	v0 =	vor.u32 $0x180, v0;
	s24 =	sadd.s32 $0x10, s0;
	[tilespmem:s23+$0xC800] =	vst v5;
	v5 =	vld.idx.msk [tilespmem:v13+s20+$0x0], $0xffff  }
0x15c: {  	v1 =	vld.idx.msk [tilespmem:v1+s20+$0x0], $0xffff;
	[tilespmem:s2+$0xC800] =	vst v3;
	s26 =	sadd.s32 $0x20, s0;
	v7 =	vor.u32 $0x180, v20;
	s30 =	sor.u32 $0x100, s24  }
0x15d: {  	s22 =	sadd.s32 $0x30, s0;
	s31 =	sor.u32 $0x100, s26;
	v2 =	vld.idx.msk [tilespmem:v2+s20+$0x0], $0xffff;
	[tilespmem:s30+$0xC800] =	vst v6  }
0x15e: {  	s25 =	sor.u32 $0x100, s22;
	[tilespmem:s31+$0xC800] =	vst v4;
	v4 =	vld.idx.msk [tilespmem:v11+s20+$0x0], $0xffff  }
0x15f: {  	s11 =	sor.u32 $0x100, s0;
	v3 =	vld.idx.msk [tilespmem:v8+s20+$0x0], $0xffff;
	[tilespmem:s25+$0xC800] =	vst v14  }
0x160: {  	v0 =	vld.idx.msk [tilespmem:v0+s20+$0x0], $0xffff;
	[tilespmem:s11+$0xC800] =	vst v5  }
0x161: {  	[tilespmem:s5+$0xC800] =	vst v1;
	v1 =	vld.idx.msk [tilespmem:v7+s20+$0x0], $0xffff  }
0x162: {  	s12 =	sor.u32 $0x180, s24;
	[tilespmem:s4+$0xC800] =	vst v2  }
0x163: {  	s13 =	sor.u32 $0x180, s26;
	[tilespmem:s12+$0xC800] =	vst v4  }
0x164: {  	s1 =	sor.u32 $0x180, s22;
	[tilespmem:s13+$0xC800] =	vst v3  }
0x165: {  	s0 =	sor.u32 $0x180, s0;
	[tilespmem:s1+$0xC800] =	vst v0  }
0x166: {  	[tilespmem:s0+$0xC800] =	vst v1  }
0x167: {  	s0 =	rddreg [dreg:$0xb]  }
0x168: {  	s15 =	simm.s32 $0xC800;
	s22 =	smin.u32 s14, $0xF9;
	s0 =	sadd.s32 s7, s0  }
0x169: {  	[hbm4b:s0+s16] =	stream.strided.scatter [tilespmem:s15], [sflag:$0x7], $0x2000, s17, s16, $0x38;
	[tilespmem:$0x10800] =	vst v63  }
0x16a: {  	s0 =	sadd.s32 $0x6, s22  }
0x16b: {  	s2 =	rddreg [dreg:$0x4];
	s23 =	sshll.u32 s0, $0xA;
	s0 =	sshll.u32 s0, $0x6  }
0x16c: {  	s24 =	rddreg [dreg:$0x0];
	s1 =	sadd.s32 s2, s23;
	s0 =	sand.u32 $0x40, s0  }
0x16d: {  	s1 =	sand.u32 $0xFFF800, s1;
	s0 =	sadd.s32 s24, s0  }
0x16e: {  	s25 =	simm.s32 $0x4;
	s0 =	sadd.s32 s1, s0  }
0x16f: {  	[tilespmem:s20], [sflag:$0x3] =	stream.strided.gather [hbm4b:s0+s16], $0x2000, s17, s16, $0x38;
	[tilespmem:$0x10800] =	vst v63  }
0x170: {  	_ =	swait.ge [sflag:s25], $0x2000  }
0x171: {  	[sflag:s25] =	ssyncset.done $0x0  }
0x172: {  	s26 =	simm.s32 $0x0;
	s1 =	simm.s32 @!p0 $0x8;
	[sflag:s25] =	ssyncadd.s32 $0xFFFFE000  }
0x173: {  	s0 =	sand.u32 $0x40, s26;
	_ =	swait.ge @!p0 [sflag:s1], $0x2000  }
0x174: {  	s30 =	sand.u32 $0x780, s26;
	s31 =	sor.u32 $0x30, s0;
	[sflag:s1] =	ssyncset.done @!p0 $0x0  }
0x175: {  	s6 =	sor.u32 s31, s30;
	[sflag:s1] =	ssyncadd.s32 @!p0 $0xFFFFE000  }
0x176: {  	s7 =	sor.u32 $0x10, s0;
	v0 =	vld [tilespmem:s6+$0x0]  }
0x177: {  	s13 =	sor.u32 $0x20, s0;
	s12 =	sor.u32 s7, s30  }
0x178: {  	s3 =	sor.u32 s13, s30;
	v1 =	vld [tilespmem:s12+$0x0]  }
0x179: {  	v2 =	vld [tilespmem:s3+$0x0];
	_ =	sdelay $0x1  }
0x17a: {  	v3 =	vshll.u32 v0, $0x2  }
0x17b: {  	v0 =	vand.u32 $0x7F, v0;
	v3 =	vand.u32 $0xFFFFFE00, v3  }
0x17c: {  	v0 =	vor.u32 v0, v3;
	v3 =	vshll.u32 v1, $0x2  }
0x17d: {  	v4 =	vshll.u32 v2, $0x2;
	v1 =	vand.u32 $0x7F, v1;
	v3 =	vand.u32 $0xFFFFFE00, v3  }
0x17e: {  	v2 =	vand.u32 $0x7F, v2;
	v1 =	vor.u32 v1, v3;
	v3 =	vand.u32 $0xFFFFFE00, v4  }
0x17f: {  	v2 =	vor.u32 v2, v3;
	_ =	sdelay $0x1  }
0x180: {  	s14 =	simm.s32 $0x0;
	s15 =	simm.s32 $0x40;
	s2 =	sand.u32 $0x1E00, s26;
	v3 =	vld.idx.msk [tilespmem:v0+s21+$0x0], $0xffff  }
0x181: {  	s22 =	sadd.s32 $0xE800, s2;
	s2 =	sand.u32 $0x40, s15;
	v6 =	vld [tilespmem:s14+$0x0];
	v4 =	vor.u32 $0x80, v0  }
0x182: {  	s23 =	sand.u32 $0x780, s15;
	s24 =	sor.u32 $0x30, s2;
	v5 =	vld.idx.msk [tilespmem:v1+s21+$0x0], $0xffff  }
0x183: {  	s25 =	sor.u32 s24, s23;
	v7 =	vld.idx.msk [tilespmem:v2+s21+$0x0], $0xffff  }
0x184: {  	s4 =	sor.u32 s31, s22;
	v9 =	vld [tilespmem:s25+$0x0];
	v8 =	vor.u32 $0x80, v2  }
0x185: {  	s5 =	sor.u32 $0x10, s2;
	[tilespmem:s4+$0x0] =	vst v3;
	v3 =	vor.u32 $0x80, v1  }
0x186: {  	s10 =	sor.u32 $0x20, s2;
	s11 =	sor.u32 s5, s23;
	s1 =	sor.u32 s7, s22;
	v11 =	vshll.u32 v6, $0x2;
	v4 =	vld.idx.msk [tilespmem:v4+s21+$0x0], $0xffff  }
0x187: {  	s9 =	sor.u32 s10, s23;
	v10 =	vld [tilespmem:s11+$0x0];
	s6 =	sor.u32 s13, s22;
	v6 =	vand.u32 $0x7F, v6;
	v11 =	vand.u32 $0xFFFFFE00, v11;
	v12 =	vor.u32 $0x100, v0;
	[tilespmem:s1+$0x0] =	vst v5  }
0x188: {  	v13 =	vld [tilespmem:s9+$0x0];
	v5 =	vor.u32 v6, v11;
	[tilespmem:s6+$0x0] =	vst v7  }
0x189: {  	v11 =	vshll.u32 v9, $0x2;
	v8 =	vld.idx.msk [tilespmem:v8+s21+$0x0], $0xffff  }
0x18a: {  	v9 =	vand.u32 $0x7F, v9;
	v7 =	vor.u32 $0x100, v2;
	v11 =	vand.u32 $0xFFFFFE00, v11;
	v3 =	vld.idx.msk [tilespmem:v3+s21+$0x0], $0xffff  }
0x18b: {  	p0 =	por $0x0, $0x0;
	v9 =	vor.u32 v9, v11;
	[tilespmem:s4+$0x80] =	vst v4;
	s4 =	simm.s32 $0x1  }
0x18c: {  	v6 =	vor.u32 $0x100, v1;
	v12 =	vld.idx.msk [tilespmem:v12+s21+$0x0], $0xffff;
	s4 =	simm.s32 @!p0 $0x0  }
0x18d: {  	v0 =	vor.u32 $0x180, v0;
	v4 =	vshll.u32 v10, $0x2;
	v14 =	vld.idx.msk [tilespmem:v5+s21+$0x0], $0xffff;
	s4 =	sshll.u32 s4, $0x6  }
0x18e: {  	v11 =	vshll.u32 v13, $0x2;
	v10 =	vand.u32 $0x7F, v10;
	v4 =	vand.u32 $0xFFFFFE00, v4;
	s4 =	sadd.s32 $0x0, s4;
	[tilespmem:s6+$0x80] =	vst v8  }
0x18f: {  	v11 =	vand.u32 $0xFFFFFE00, v11;
	v4 =	vor.u32 v10, v4;
	v10 =	vand.u32 $0x7F, v13;
	[tilespmem:s1+$0x80] =	vst v3;
	s1 =	sadd.s32 $0x30, s4;
	v7 =	vld.idx.msk [tilespmem:v7+s21+$0x0], $0xffff  }
0x190: {  	v8 =	vor.u32 $0x80, v5;
	v3 =	vor.u32 v10, v11;
	v10 =	vld.idx.msk [tilespmem:v9+s21+$0x0], $0xffff;
	s26 =	sor.u32 $0x100, s1  }
0x191: {  	s31 =	sor.u32 s0, s22;
	s7 =	simm.s32 $0x40;
	v6 =	vld.idx.msk [tilespmem:v6+s21+$0x0], $0xffff;
	[tilespmem:s26+$0xE800] =	vst v12  }
0x192: {  	s30 =	simm.s32 $0x100;
	[tilespmem:s31+$0x0] =	vst v14;
	v14 =	vld [tilespmem:s7+$0x0]  }
0x193: {  	s12 =	simm.s32 $0x80;
	s6 =	sand.u32 $0x1E00, s30;
	v11 =	vld.idx.msk [tilespmem:v0+s21+$0x0], $0xffff  }
0x194: {  	s11 =	sadd.s32 $0xE800, s6;
	s7 =	sand.u32 $0x40, s12;
	v0 =	vor.u32 $0x80, v9;
	v12 =	vld.idx.msk [tilespmem:v4+s21+$0x0], $0xffff  }
0x195: {  	v1 =	vor.u32 $0x180, v1;
	s23 =	sadd.s32 $0x10, s4;
	s12 =	sand.u32 $0x780, s12;
	s14 =	sor.u32 $0x30, s7;
	v8 =	vld.idx.msk [tilespmem:v8+s21+$0x0], $0xffff  }
0x196: {  	s13 =	sor.u32 s24, s11;
	s0 =	sor.u32 $0x10, s7;
	s24 =	sor.u32 s14, s12;
	v13 =	vld.idx.msk [tilespmem:v3+s21+$0x0], $0xffff  }
0x197: {  	s25 =	sor.u32 $0x100, s23;
	s26 =	sor.u32 s0, s12;
	[tilespmem:s13+$0x0] =	vst v10;
	v10 =	vor.u32 $0x80, v4;
	v16 =	vld [tilespmem:s24+$0x0]  }
0x198: {  	v15 =	vor.u32 $0x80, v3;
	[tilespmem:s25+$0xE800] =	vst v6;
	v6 =	vld [tilespmem:s26+$0x0]  }
0x199: {  	v17 =	vor.u32 $0x100, v5;
	s3 =	sor.u32 $0x20, s7;
	v0 =	vld.idx.msk [tilespmem:v0+s21+$0x0], $0xffff  }
0x19a: {  	v19 =	vor.u32 $0x100, v9;
	s5 =	sor.u32 s5, s11;
	s12 =	sor.u32 s3, s12;
	v18 =	vld.idx.msk [tilespmem:v1+s21+$0x0], $0xffff;
	v1 =	vshll.u32 v14, $0x2  }
0x19b: {  	v2 =	vor.u32 $0x180, v2;
	s10 =	sor.u32 s10, s11;
	v20 =	vld [tilespmem:s12+$0x0];
	v14 =	vand.u32 $0x7F, v14;
	v1 =	vand.u32 $0xFFFFFE00, v1;
	[tilespmem:s5+$0x0] =	vst v12  }
0x19c: {  	v12 =	vor.u32 v14, v1;
	v1 =	vld.idx.msk [tilespmem:v10+s21+$0x0], $0xffff;
	[tilespmem:s10+$0x0] =	vst v13  }
0x19d: {  	s30 =	sadd.s32 $0x20, s4;
	v14 =	vor.u32 $0x100, v3;
	[tilespmem:s31+$0x80] =	vst v8;
	v10 =	vor.u32 $0x100, v4;
	v8 =	vshll.u32 v16, $0x2;
	v15 =	vld.idx.msk [tilespmem:v15+s21+$0x0], $0xffff  }
0x19e: {  	p0 =	por !p0, !p0;
	s6 =	simm.s32 $0x1;
	s31 =	sor.u32 $0x100, s30;
	v63 =	vld.idx.msk [tilespmem:v17+s21+$0x0], $0xffff;
	v13 =	vand.u32 $0x7F, v16;
	v8 =	vand.u32 $0xFFFFFE00, v8;
	[tilespmem:s13+$0x80] =	vst v0;
	v0 =	vshll.u32 v6, $0x2  }
0x19f: {  	s1 =	sor.u32 $0x180, s1;
	s6 =	simm.s32 @!p0 $0x0;
	[tilespmem:s31+$0xE800] =	vst v7;
	v7 =	vld.idx.msk [tilespmem:v19+s21+$0x0], $0xffff;
	v16 =	vand.u32 $0xFFFFFE00, v0;
	v0 =	vor.u32 v13, v8  }
0x1a0: {  	s15 =	sshll.u32 s6, $0x6;
	[tilespmem:s1+$0xE800] =	vst v11;
	v8 =	vshll.u32 v20, $0x2;
	v19 =	vld.idx.msk [tilespmem:v2+s21+$0x0], $0xffff;
	v2 =	vand.u32 $0x7F, v6;
	v6 =	vor.u32 $0x180, v9  }
0x1a1: {  	s28 =	simm.s32 $0x8;
	s22 =	sor.u32 $0x100, s4;
	s25 =	sadd.s32 $0x100, s15;
	v22 =	vld.idx.msk [tilespmem:v12+s21+$0x0], $0xffff;
	v8 =	vand.u32 $0xFFFFFE00, v8;
	v23 =	vor.u32 v2, v16;
	v2 =	vand.u32 $0x7F, v20;
	[tilespmem:s5+$0x80] =	vst v1  }
0x1a2: {  	s24 =	sor.u32 $0x180, s23;
	s12 =	sor.u32 $0x180, s30;
	s13 =	sadd.s32 $0x30, s25;
	v20 =	vor.u32 v2, v8;
	v13 =	vld.idx.msk [tilespmem:v10+s21+$0x0], $0xffff;
	[tilespmem:s10+$0x80] =	vst v15  }
0x1a3: {  	s23 =	sor.u32 s2, s11;
	s11 =	simm.s32 $0xC0;
	v3 =	vor.u32 $0x180, v3;
	[tilespmem:s24+$0xE800] =	vst v18;
	s30 =	sor.u32 $0x100, s13;
	v14 =	vld.idx.msk [tilespmem:v14+s21+$0x0], $0xffff  }
0x1a4: {  	s26 =	sadd.s32 $0x10, s25;
	s15 =	sor.u32 $0x100, s25;
	v4 =	vor.u32 $0x180, v4;
	s31 =	sadd.s32 $0x20, s25;
	v9 =	vor.u32 $0x80, v12;
	v1 =	vor.u32 $0x180, v5;
	v17 =	vld.idx.msk [tilespmem:v0+s21+$0x0], $0xffff;
	[tilespmem:s30+$0xE800] =	vst v7  }
0x1a5: {  	s1 =	sor.u32 $0x100, s26;
	s29 =	sor.u32 $0x100, s31;
	s2 =	sor.u32 $0x180, s31;
	v5 =	vor.u32 $0x100, v12;
	[tilespmem:s22+$0xE800] =	vst v63;
	v2 =	vor.u32 $0x180, v12;
	v10 =	vor.u32 $0x80, v23;
	v16 =	vld.idx.msk [tilespmem:v6+s21+$0x0], $0xffff  }
0x1a6: {  	s5 =	sor.u32 $0x180, s4;
	s4 =	sor.u32 $0x180, s25;
	s25 =	simm.s32 $0x200;
	v11 =	vor.u32 $0x180, v23;
	v12 =	vor.u32 $0x80, v20;
	[tilespmem:s12+$0xE800] =	vst v19;
	v19 =	vor.u32 $0x80, v0;
	v15 =	vld.idx.msk [tilespmem:v23+s21+$0x0], $0xffff  }
0x1a7: {  	s24 =	simm.s32 $0x80;
	s10 =	sor.u32 $0x180, s26;
	s22 =	sand.u32 $0x1E00, s25;
	v8 =	vor.u32 $0x180, v20;
	v7 =	vor.u32 $0x100, v20;
	[tilespmem:s23+$0x0] =	vst v22;
	v6 =	vor.u32 $0x100, v23;
	v18 =	vld.idx.msk [tilespmem:v20+s21+$0x0], $0xffff  }
.LBB2_9:
0x1a8: {  	s6 =	sand.u32 $0x780, s11;
	v20 =	vld [tilespmem:s24+$0x0];
	s9 =	sadd.s32 $0xE800, s22;
	[tilespmem:s1+$0xE800] =	vst v13;
	s12 =	smov.u32 s5  }
0x1a9: {  	s1 =	sand.u32 $0x40, s11;
	s28 =	sadd.s32 $0x4, s28;
	s22 =	sor.u32 s14, s9;
	v13 =	vld.idx.msk [tilespmem:v9+s21+$0x0], $0xffff;
	[tilespmem:s29+$0xE800] =	vst v14  }
0x1aa: {  	s5 =	sor.u32 $0x180, s13;
	s14 =	sor.u32 $0x30, s1;
	p1 =	slt.u32 s28, $0x7C;
	[tilespmem:s22+$0x0] =	vst v17;
	v14 =	vld.idx.msk [tilespmem:v4+s21+$0x0], $0xffff;
	v4 =	vmov v11  }
0x1ab: {  	s13 =	sor.u32 $0x10, s1;
	s24 =	sor.u32 $0x20, s1;
	s26 =	sor.u32 s14, s6;
	v11 =	vld.idx.msk [tilespmem:v19+s21+$0x0], $0xffff;
	[tilespmem:s5+$0xE800] =	vst v16  }
0x1ac: {  	s5 =	sor.u32 s13, s6;
	s6 =	sor.u32 s24, s6;
	v16 =	vld [tilespmem:s26+$0x0];
	s26 =	sor.u32 s7, s9  }
0x1ad: {  	s29 =	sor.u32 s0, s9;
	s9 =	sor.u32 s3, s9;
	s7 =	smov.u32 s1;
	v17 =	vld [tilespmem:s5+$0x0];
	v9 =	vand.u32 $0x7F, v20;
	v19 =	vshll.u32 v20, $0x2;
	v20 =	vor.u32 $0x100, v0  }
0x1ae: {  	s0 =	smov.u32 s13;
	s3 =	smov.u32 s24;
	s5 =	smov.u32 s4;
	v21 =	vld [tilespmem:s6+$0x0];
	v19 =	vand.u32 $0xFFFFFE00, v19;
	[tilespmem:s29+$0x0] =	vst v15  }
0x1af: {  	v15 =	vor.u32 v9, v19;
	v10 =	vld.idx.msk [tilespmem:v10+s21+$0x0], $0xffff;
	[tilespmem:s9+$0x0] =	vst v18  }
0x1b0: {  	v9 =	vor.u32 $0x80, v15;
	v18 =	vor.u32 $0x100, v15;
	v19 =	vor.u32 $0x180, v15;
	v12 =	vld.idx.msk [tilespmem:v12+s21+$0x0], $0xffff;
	[tilespmem:s23+$0x80] =	vst v13;
	s23 =	smov.u32 s26  }
0x1b1: {  	p0 =	por !p0, !p0;
	s1 =	simm.s32 $0x1;
	v13 =	vshll.u32 v16, $0x2;
	[tilespmem:s22+$0x80] =	vst v11;
	v22 =	vld.idx.msk [tilespmem:v5+s21+$0x0], $0xffff;
	v5 =	vmov v18  }
0x1b2: {  	s1 =	simm.s32 @!p0 $0x0;
	v16 =	vand.u32 $0x7F, v16;
	v11 =	vshll.u32 v17, $0x2;
	v13 =	vand.u32 $0xFFFFFE00, v13;
	v18 =	vld.idx.msk [tilespmem:v20+s21+$0x0], $0xffff;
	[tilespmem:s10+$0xE800] =	vst v14  }
0x1b3: {  	s1 =	sshll.u32 s1, $0x6;
	v11 =	vand.u32 $0xFFFFFE00, v11;
	v14 =	vshll.u32 v21, $0x2;
	v16 =	vor.u32 v16, v13;
	v20 =	vld.idx.msk [tilespmem:v3+s21+$0x0], $0xffff;
	v3 =	vmovc v8  }
0x1b4: {  	s4 =	sadd.s32 s1, s25;
	v8 =	vand.u32 $0x7F, v17;
	v13 =	vand.u32 $0xFFFFFE00, v14;
	v23 =	vld.idx.msk [tilespmem:v15+s21+$0x0], $0xffff;
	v15 =	vor.u32 $0x180, v0;
	v0 =	vmovc v16  }
0x1b5: {  	s6 =	sadd.s32 $0x10, s4;
	v24 =	vor.u32 v8, v11;
	v8 =	vand.u32 $0x7F, v21;
	[tilespmem:s29+$0x80] =	vst v10;
	v21 =	vld.idx.msk [tilespmem:v1+s21+$0x0], $0xffff;
	v1 =	vmovc v2;
	v2 =	vmov v19  }
0x1b6: {  	s13 =	sadd.s32 $0x30, s4;
	s1 =	sor.u32 $0x100, s6;
	v10 =	vor.u32 $0x80, v24;
	v25 =	vor.u32 v8, v13;
	v13 =	vld.idx.msk [tilespmem:v6+s21+$0x0], $0xffff;
	v6 =	vor.u32 $0x100, v24;
	[tilespmem:s9+$0x80] =	vst v12;
	s9 =	sadd.s32 $0x20, s4  }
.Ltmp3:
0x1b7: {  	s22 =	sor.u32 $0x100, s13;
	v11 =	vor.u32 $0x180, v24;
	v12 =	vor.u32 $0x80, v25;
	v14 =	vld.idx.msk [tilespmem:v7+s21+$0x0], $0xffff;
	v7 =	vor.u32 $0x100, v25;
	s29 =	sor.u32 $0x100, s9;
	[tilespmem:s15+$0xE800] =	vst v22;
	(pc) =	sbr.rel @p1 .LBB2_9-.Ltmp3, $4  }
0x1b8: {  	s10 =	sor.u32 $0x180, s6;
	v8 =	vor.u32 $0x180, v25;
	s15 =	sor.u32 $0x100, s4;
	s6 =	sor.u32 $0x180, s9;
	v17 =	vld.idx.msk [tilespmem:v16+s21+$0x0], $0xffff;
	[tilespmem:s22+$0xE800] =	vst v18  }
0x1b9: {  	s4 =	sor.u32 $0x180, s4;
	v16 =	vld.idx.msk [tilespmem:v15+s21+$0x0], $0xffff;
	[tilespmem:s2+$0xE800] =	vst v20;
	s2 =	smov.u32 s6  }
0x1ba: {  	s25 =	sadd.s32 $0x100, s25;
	v19 =	vor.u32 $0x80, v0;
	v15 =	vld.idx.msk [tilespmem:v24+s21+$0x0], $0xffff;
	[tilespmem:s23+$0x0] =	vst v23  }
0x1bb: {  	s11 =	sadd.s32 $0x40, s11;
	s24 =	sshra.s32 s25, $0x2;
	s22 =	sand.u32 $0x1E00, s25;
	v18 =	vld.idx.msk [tilespmem:v25+s21+$0x0], $0xffff;
	[tilespmem:s12+$0xE800] =	vst v21  }
0x1bc: {  	v20 =	vld [tilespmem:s24+$0x0];
	_ =	sdelay $0x4  }
0x1bd: {  	v21 =	vshll.u32 v20, $0x2  }
0x1be: {  	v20 =	vand.u32 $0x7F, v20;
	v21 =	vand.u32 $0xFFFFFE00, v21  }
0x1bf: {  	v20 =	vor.u32 v20, v21;
	_ =	sdelay $0x3  }
0x1c0: {  	s6 =	sadd.s32 $0xE800, s22;
	[tilespmem:s1+$0xE800] =	vst v13  }
0x1c1: {  	[tilespmem:s29+$0xE800] =	vst v14;
	s11 =	sor.u32 s14, s6;
	v51 =	vld.idx.msk [tilespmem:v20+s21+$0x0], $0xffff  }
0x1c2: {  	v9 =	vld.idx.msk [tilespmem:v9+s21+$0x0], $0xffff;
	s9 =	sor.u32 $0x180, s13;
	[tilespmem:s11+$0x0] =	vst v17;
	v52 =	vor.u32 $0x80, v20  }
0x1c3: {  	v1 =	vld.idx.msk [tilespmem:v1+s21+$0x0], $0xffff;
	s0 =	sor.u32 s0, s6;
	[tilespmem:s9+$0xE800] =	vst v16  }
0x1c4: {  	s3 =	sor.u32 s3, s6;
	v17 =	vld.idx.msk [tilespmem:v19+s21+$0x0], $0xffff;
	[tilespmem:s0+$0x0] =	vst v15  }
0x1c5: {  	v53 =	vor.u32 $0x100, v0;
	s6 =	sor.u32 s7, s6;
	v10 =	vld.idx.msk [tilespmem:v10+s21+$0x0], $0xffff;
	[tilespmem:s3+$0x0] =	vst v18  }
0x1c6: {  	v12 =	vld.idx.msk [tilespmem:v12+s21+$0x0], $0xffff;
	[tilespmem:s6+$0x0] =	vst v51  }
0x1c7: {  	[tilespmem:s23+$0x80] =	vst v9;
	v54 =	vld.idx.msk [tilespmem:v52+s21+$0x0], $0xffff  }
0x1c8: {  	v4 =	vld.idx.msk [tilespmem:v4+s21+$0x0], $0xffff;
	[tilespmem:s5+$0xE800] =	vst v1;
	v55 =	vor.u32 $0x100, v20  }
0x1c9: {  	p0 =	por !p0, !p0;
	s1 =	simm.s32 $0x1;
	v5 =	vld.idx.msk [tilespmem:v5+s21+$0x0], $0xffff;
	[tilespmem:s11+$0x80] =	vst v17  }
0x1ca: {  	s1 =	simm.s32 @!p0 $0x0;
	v56 =	vld.idx.msk [tilespmem:v53+s21+$0x0], $0xffff;
	[tilespmem:s0+$0x80] =	vst v10  }
0x1cb: {  	v57 =	vor.u32 $0x180, v0;
	s12 =	sshll.u32 s1, $0x6;
	v6 =	vld.idx.msk [tilespmem:v6+s21+$0x0], $0xffff;
	[tilespmem:s3+$0x80] =	vst v12  }
0x1cc: {  	s0 =	sadd.s32 s12, s25;
	v58 =	vld.idx.msk [tilespmem:v7+s21+$0x0], $0xffff;
	[tilespmem:s6+$0x80] =	vst v54  }
0x1cd: {  	[tilespmem:s10+$0xE800] =	vst v4;
	s13 =	sadd.s32 $0x30, s0;
	v59 =	vld.idx.msk [tilespmem:v55+s21+$0x0], $0xffff  }
0x1ce: {  	v3 =	vld.idx.msk [tilespmem:v3+s21+$0x0], $0xffff;
	v60 =	vor.u32 $0x180, v20;
	s14 =	sadd.s32 $0x10, s0;
	s22 =	sor.u32 $0x100, s13;
	[tilespmem:s15+$0xE800] =	vst v5  }
0x1cf: {  	s23 =	sadd.s32 $0x20, s0;
	s24 =	sor.u32 $0x100, s14;
	v2 =	vld.idx.msk [tilespmem:v2+s21+$0x0], $0xffff;
	[tilespmem:s22+$0xE800] =	vst v56  }
0x1d0: {  	s25 =	sor.u32 $0x100, s23;
	v0 =	vld.idx.msk [tilespmem:v57+s21+$0x0], $0xffff;
	[tilespmem:s24+$0xE800] =	vst v6  }
0x1d1: {  	s26 =	sor.u32 $0x100, s0;
	[tilespmem:s25+$0xE800] =	vst v58;
	v61 =	vld.idx.msk [tilespmem:v11+s21+$0x0], $0xffff  }
0x1d2: {  	v62 =	vld.idx.msk [tilespmem:v8+s21+$0x0], $0xffff;
	[tilespmem:s26+$0xE800] =	vst v59  }
0x1d3: {  	[tilespmem:s2+$0xE800] =	vst v3;
	v63 =	vld.idx.msk [tilespmem:v60+s21+$0x0], $0xffff  }
0x1d4: {  	s1 =	sor.u32 $0x180, s13;
	[tilespmem:s4+$0xE800] =	vst v2  }
0x1d5: {  	s8 =	sadd.s32 $0x1, s8;
	s28 =	sor.u32 $0x180, s14;
	[tilespmem:s1+$0xE800] =	vst v0  }
0x1d6: {  	p0 =	sne.s32 s8, $0x40;
	s29 =	sor.u32 $0x180, s23;
	[tilespmem:s28+$0xE800] =	vst v61  }
.Ltmp4:
0x1d7: {  	s0 =	sor.u32 $0x180, s0;
	[tilespmem:s29+$0xE800] =	vst v62;
	(pc) =	sbr.rel @p0 .LBB2_2-.Ltmp4, $4  }
0x1d8: {  	s30 =	rddreg [dreg:$0x2];
	[tilespmem:s0+$0xE800] =	vst v63  }
0x1d9: {  	s1 =	rddreg [dreg:$0xe]  }
0x1da: {  	s31 =	simm.s32 $0xE800;
	s0 =	sadd.s32 s30, s1  }
0x1db: {  	[hbm4b:s0+s16] =	stream.strided.scatter [tilespmem:s31], [sflag:$0x8], $0x2000, s17, s16, $0x38;
	[tilespmem:$0x10800] =	vst v63  }
0x1dc: {  	s0 =	simm.s32 $0x1  }
0x1dd: {  	_ =	swait.ge [sflag:s0], $0x2000  }
0x1de: {  	[sflag:s0] =	ssyncset.done $0x0  }
0x1df: {  	s25 =	simm.s32 $0x2;
	[sflag:s0] =	ssyncadd.s32 $0xFFFFE000  }
0x1e0: {  	_ =	swait.ge [sflag:s25], $0x2000  }
0x1e1: {  	[sflag:s25] =	ssyncset.done $0x0  }
0x1e2: {  	s26 =	simm.s32 $0x3;
	[sflag:s25] =	ssyncadd.s32 $0xFFFFE000  }
0x1e3: {  	_ =	swait.ge [sflag:s26], $0x2000  }
0x1e4: {  	[sflag:s26] =	ssyncset.done $0x0  }
0x1e5: {  	s28 =	simm.s32 $0x5;
	[sflag:s26] =	ssyncadd.s32 $0xFFFFE000  }
0x1e6: {  	_ =	swait.ge [sflag:s28], $0x2000  }
0x1e7: {  	[sflag:s28] =	ssyncset.done $0x0  }
0x1e8: {  	s29 =	simm.s32 $0x6;
	[sflag:s28] =	ssyncadd.s32 $0xFFFFE000  }
0x1e9: {  	_ =	swait.ge [sflag:s29], $0x2000  }
0x1ea: {  	[sflag:s29] =	ssyncset.done $0x0  }
0x1eb: {  	s30 =	simm.s32 $0x7;
	[sflag:s29] =	ssyncadd.s32 $0xFFFFE000  }
0x1ec: {  	_ =	swait.ge [sflag:s30], $0x2000  }
0x1ed: {  	[sflag:s30] =	ssyncset.done $0x0  }
0x1ee: {  	s1 =	simm.s32 $0x8;
	[sflag:s30] =	ssyncadd.s32 $0xFFFFE000  }
0x1ef: {  	_ =	swait.ge [sflag:s1], $0x2000  }
0x1f0: {  	s2 =	rddreg [dreg:$0xd]  }
0x1f1: {  	s31 =	rddreg [dreg:$0xc];
	s2 =	sadd.s32 $0x1, s2  }
0x1f2: {  	p0 =	sne.s32 s2, s31  }
.Ltmp5:
0x1f3: {  	_ = 	snop;
	(pc) =	sbr.rel @p0 .LBB2_1-.Ltmp5, $3  }
0x1f4: {  	_ =	sdelay $0x1  }
0x1f5: {  	[sflag:s1] =	ssyncset.done $0x0  }
0x1f6: {  	[sflag:s1] =	ssyncadd.s32 $0xFFFFE000  }
0x1f7: {  	_ =	sfence.sel $0x180000  }
0x1f8: {  	[bflag:$0x0] =	sbarrier.arrive $0xFFFF  }
0x1f9: {  	_ =	strace $0x90000047  }
0x1fa: {  	s0 =	stileid.u32;
	[bflag:$0x2] =	sbarrier.arrive $0xFFFF  }
0x1fb: {  	p0 =	sne.s32 s0, $0x0;
	s0 =	rddreg [dreg:$0x3]  }
0x1fc: {  	s0 =	sadd.s32 @!p0 $0x100000, s0  }
0x1fd: {  	[sflag:s0] =	ssyncadd.tile.s32 @!p0 $0x1;
	_ =	shalt  }
.Lfunc_end2:
_tile_overlayer_lowered:
.L_overlay_start_2:
0x1fe: {  	(tag) =	ssettag $0x2  }
0x1ff: {  	s0 =	rddreg [dreg:$0x0];
	s2 =	stileid.u32  }
0x200: {  	s1 =	rddreg [dreg:$0x1];
	p0 =	sne.s32 s2, $0x0  }
0x201: {  	s3 =	rddreg [dreg:$0x2];
	[bflag:$0x3] =	sbarrier.arrive $0xFFFF;
	s2 =	simm.s32 @!p0 $0x1C09  }
0x202: {  	[timem:s3], [sflag:s2] =	dma.local @!p0 [hbm:s0], s1  }
0x203: {  	s0 =	simm.s32 @!p0 $0x9  }
0x204: {  	_ =	swait.ge @!p0 [sflag:s0], s1  }
0x205: {  	s1 =	ssub.s32 @!p0 $0x0, s1;
	[sflag:s0] =	ssyncset.done @!p0 $0x0  }
0x206: {  	[sflag:s0] =	ssyncadd.s32 @!p0 s1  }
0x207: {  	[bflag:$0x3] =	sbarrier.arrive $0xFFFF  }
0x208: {  	_ =	shalt  }

</sc_bundles>
